<compile_context>
chip_gen: v7x
topology: tpu7x:2x2x1
jax: 0.10.2.dev20260603
libtpu: 0.0.44.dev20260713+nightly
codegen_flags: <defaults>
</compile_context>

<pallas_src>
import functools

import jax
import jax.numpy as jnp
from jax import lax
from jax.experimental import pallas as pl
from jax.experimental.pallas import tpu as pltpu
from jax.experimental.pallas import tpu_sc as plsc

B = 16384
D = 32
L = 16
NC = 2
NS = 16
NW = NC * NS
BPW = B // NW
CHUNK = 128
NCHUNK = BPW // CHUNK
PAD_IDX = 0


def _emb_body(idx_hbm, table_hbm, out_hbm, idx2d, rows_v, sem):
    wid = lax.axis_index("s") * NC + lax.axis_index("c")
    base = wid * BPW

    for c in range(NCHUNK):
        pltpu.sync_copy(idx_hbm.at[pl.ds(base + c * CHUNK, CHUNK)], idx2d.at[c])

    copies = []
    for c in range(NCHUNK):
        copies.append(
            pltpu.async_copy(
                table_hbm.at[idx2d.at[c]],
                rows_v.at[pl.ds(c * CHUNK, CHUNK)],
                sem,
            )
        )
    for cp in copies:
        cp.wait()

    zero = jnp.zeros((L,), jnp.float32)
    for c in range(NCHUNK):
        idx_row = idx2d.at[c]

        def fix_group(g, carry, idx_row=idx_row, c=c):
            idxv = idx_row[pl.ds(g * L, L)]

            @pl.when(jnp.min(idxv) == jnp.int32(PAD_IDX))
            def _():
                def fix_row(e, cc):
                    r = g * L + e
                    splat = plsc.load_gather(
                        idx_row, [jnp.full((L,), r, jnp.int32)])
                    zs = splat == jnp.int32(PAD_IDX)
                    row = c * CHUNK + r
                    v0 = rows_v[row, pl.ds(0, L)]
                    rows_v[row, pl.ds(0, L)] = jnp.where(zs, zero, v0)
                    v1 = rows_v[row, pl.ds(L, L)]
                    rows_v[row, pl.ds(L, L)] = jnp.where(zs, zero, v1)
                    return cc

                lax.fori_loop(0, L, fix_row, 0)

            return carry

        lax.fori_loop(0, CHUNK // L, fix_group, 0)

    pltpu.sync_copy(rows_v, out_hbm.at[pl.ds(base, BPW)])


@functools.partial(
    pl.kernel,
    mesh=plsc.VectorSubcoreMesh(core_axis_name="c", subcore_axis_name="s"),
    out_type=jax.ShapeDtypeStruct((B, D), jnp.float32),
    scratch_types=[
        pltpu.VMEM((NCHUNK, CHUNK), jnp.int32),
        pltpu.VMEM((BPW, D), jnp.float32),
        pltpu.SemaphoreType.DMA,
    ],
    compiler_params=pltpu.CompilerParams(
        use_tc_tiling_on_sc=False,
        needs_layout_passes=False,
    ),
)
def _emb(idx_hbm, table_hbm, out_hbm, idx2d, rows_v, sem):
    _emb_body(idx_hbm, table_hbm, out_hbm, idx2d, rows_v, sem)


def kernel(user_id, id_table):
    return _emb(user_id.astype(jnp.int32), id_table)

# --- scband reference (transcript-rebuilt; emitter-appended) ---
"""Pipeline reference for scband-union-embedding-43671227466561 (READ-ONLY COPY).

The authoritative reference and input builder live on the scoring server;
editing this copy changes nothing except your own understanding.
"""

import jax, jax.numpy as jnp
import numpy as np

NUM = 1000000
EMBED = 32
OOV_IDX = 0

def setup_inputs(seed: int = 0) -> dict:
    key = jax.random.key(seed)
    k1, k2 = jax.random.split(key)
    user_id = jax.random.randint(k1, (16384,), 0, NUM)
    # id embedding table: (num + 1, embed_size), xavier-uniform-like init
    fan = NUM + 1 + EMBED
    limit = float(np.sqrt(6.0 / fan))
    id_table = jax.random.uniform(k2, (NUM + 1, EMBED), dtype=jnp.float32, minval=-limit, maxval=limit)
    return {"user_id": user_id, "id_table": id_table}

def reference(user_id, id_table):
    # nn.Embedding with padding_idx=OOV_IDX: padding row is zero
    table = id_table.at[OOV_IDX].set(0.0)
    # feat_info is None -> no_feature path -> pure id lookup, flatten=True returns (B, embed_size)
    id_embed = jnp.take(table, user_id, axis=0)
    return id_embed

if __name__ == "__main__":
    import jax
    _d = setup_inputs()
    print(jax.jit(kernel)(*tuple(_d.values())))

</pallas_src>

<mosaic_0001>
#map = affine_map<(d0, d1) -> (0)>
#map1 = affine_map<(d0, d1) -> (0, 0)>
module attributes {stable_mosaic.version = 14 : i64} {
  func.func @_emb(%arg0: i32, %arg1: i32, %arg2: memref<16384xi32, #tpu.memory_space<hbm>>, %arg3: memref<1000001x32xf32, #tpu.memory_space<hbm>>, %arg4: memref<16384x32xf32, #tpu.memory_space<hbm>>, %arg5: memref<4x128xi32, #tpu.memory_space<vmem>>, %arg6: memref<512x32xf32, #tpu.memory_space<vmem>>, %arg7: memref<!tpu.dma_semaphore, #tpu.memory_space<semaphore_mem>>) attributes {dimension_semantics = [#tpu.dimension_semantics<core_parallel>, #tpu.dimension_semantics<subcore_parallel>], iteration_bounds = array<i64: 2, 16>, scalar_prefetch = 0 : i64, scratch_operands = 3 : i64, tpu.core_type = #tpu.core_type<sc_vector_subcore>, window_params = [{transform_indices = #map}, {transform_indices = #map1}, {transform_indices = #map1}]} {
    %mul3A = arith.constant 2 : i32
    %mul3A_0 = arith.muli %arg1, %mul3A : i32
    %add3A = arith.addi %mul3A_0, %arg0 : i32
    %mul3A_1 = arith.constant 512 : i32
    %mul3A_2 = arith.muli %add3A, %mul3A_1 : i32
    %add3A_3 = arith.constant 0 : i32
    %add3A_4 = arith.addi %mul3A_2, %add3A_3 : i32
    %run_scoped3A = arith.constant 0 : i32
    "tpu.region"() ({
      %run_scoped3A_120 = tpu.sem_alloc : memref<!tpu.dma_semaphore, #tpu.memory_space<semaphore_mem>>
      %dma_start3A_121 = arith.constant 0 : i32
      %dma_start3A_122 = tpu.memref_slice %arg5[%run_scoped3A, %dma_start3A_121] : memref<4x128xi32, #tpu.memory_space<vmem>> -> memref<1x128xi32, #tpu.memory_space<vmem>>
      %dma_start3A_123 = tpu.memref_squeeze %dma_start3A_122 : memref<1x128xi32, #tpu.memory_space<vmem>> -> memref<128xi32, #tpu.memory_space<vmem>>
      %dma_start3A_124 = tpu.memref_slice %arg2[%add3A_4] : memref<16384xi32, #tpu.memory_space<hbm>> -> memref<128xi32, #tpu.memory_space<hbm>>
      %dma_start3A_125 = arith.constant 0 : i32
      %dma_start3A_126 = tpu.memref_slice %arg5[%run_scoped3A, %dma_start3A_125] : memref<4x128xi32, #tpu.memory_space<vmem>> -> memref<1x128xi32, #tpu.memory_space<vmem>>
      %dma_start3A_127 = tpu.memref_squeeze %dma_start3A_126 : memref<1x128xi32, #tpu.memory_space<vmem>> -> memref<128xi32, #tpu.memory_space<vmem>>
      %dma_start3A_128 = tpu.memref_slice %arg2[%add3A_4] : memref<16384xi32, #tpu.memory_space<hbm>> -> memref<128xi32, #tpu.memory_space<hbm>>
      tpu.enqueue_dma source(%dma_start3A_128 : memref<128xi32, #tpu.memory_space<hbm>>) target(%dma_start3A_127 : memref<128xi32, #tpu.memory_space<vmem>>) target_semaphore(%run_scoped3A_120 : memref<!tpu.dma_semaphore, #tpu.memory_space<semaphore_mem>>)
      %dma_wait3A_129 = arith.constant 0 : i32
      %dma_wait3A_130 = tpu.memref_slice %arg5[%run_scoped3A, %dma_wait3A_129] : memref<4x128xi32, #tpu.memory_space<vmem>> -> memref<1x128xi32, #tpu.memory_space<vmem>>
      %dma_wait3A_131 = tpu.memref_squeeze %dma_wait3A_130 : memref<1x128xi32, #tpu.memory_space<vmem>> -> memref<128xi32, #tpu.memory_space<vmem>>
      %dma_wait3A_132 = tpu.memref_slice %arg2[%add3A_4] : memref<16384xi32, #tpu.memory_space<hbm>> -> memref<128xi32, #tpu.memory_space<hbm>>
      %dma_wait3A_133 = arith.constant 0 : i32
      %dma_wait3A_134 = tpu.memref_slice %arg5[%run_scoped3A, %dma_wait3A_133] : memref<4x128xi32, #tpu.memory_space<vmem>> -> memref<1x128xi32, #tpu.memory_space<vmem>>
      %dma_wait3A_135 = tpu.memref_squeeze %dma_wait3A_134 : memref<1x128xi32, #tpu.memory_space<vmem>> -> memref<128xi32, #tpu.memory_space<vmem>>
      %dma_wait3A_136 = tpu.memref_slice %arg2[%add3A_4] : memref<16384xi32, #tpu.memory_space<hbm>> -> memref<128xi32, #tpu.memory_space<hbm>>
      tpu.wait_dma2 semaphore(%run_scoped3A_120 : memref<!tpu.dma_semaphore, #tpu.memory_space<semaphore_mem>>) src(%dma_wait3A_136 : memref<128xi32, #tpu.memory_space<hbm>>) dst(%dma_wait3A_135 : memref<128xi32, #tpu.memory_space<vmem>>)
      tpu.yield
    }) : () -> ()
    %add3A_5 = arith.constant 128 : i32
    %add3A_6 = arith.addi %mul3A_2, %add3A_5 : i32
    %run_scoped3A_7 = arith.constant 1 : i32
    "tpu.region"() ({
      %run_scoped3A_120 = tpu.sem_alloc : memref<!tpu.dma_semaphore, #tpu.memory_space<semaphore_mem>>
      %dma_start3A_121 = arith.constant 0 : i32
      %dma_start3A_122 = tpu.memref_slice %arg5[%run_scoped3A_7, %dma_start3A_121] : memref<4x128xi32, #tpu.memory_space<vmem>> -> memref<1x128xi32, #tpu.memory_space<vmem>>
      %dma_start3A_123 = tpu.memref_squeeze %dma_start3A_122 : memref<1x128xi32, #tpu.memory_space<vmem>> -> memref<128xi32, #tpu.memory_space<vmem>>
      %dma_start3A_124 = tpu.memref_slice %arg2[%add3A_6] : memref<16384xi32, #tpu.memory_space<hbm>> -> memref<128xi32, #tpu.memory_space<hbm>>
      %dma_start3A_125 = arith.constant 0 : i32
      %dma_start3A_126 = tpu.memref_slice %arg5[%run_scoped3A_7, %dma_start3A_125] : memref<4x128xi32, #tpu.memory_space<vmem>> -> memref<1x128xi32, #tpu.memory_space<vmem>>
      %dma_start3A_127 = tpu.memref_squeeze %dma_start3A_126 : memref<1x128xi32, #tpu.memory_space<vmem>> -> memref<128xi32, #tpu.memory_space<vmem>>
      %dma_start3A_128 = tpu.memref_slice %arg2[%add3A_6] : memref<16384xi32, #tpu.memory_space<hbm>> -> memref<128xi32, #tpu.memory_space<hbm>>
      tpu.enqueue_dma source(%dma_start3A_128 : memref<128xi32, #tpu.memory_space<hbm>>) target(%dma_start3A_127 : memref<128xi32, #tpu.memory_space<vmem>>) target_semaphore(%run_scoped3A_120 : memref<!tpu.dma_semaphore, #tpu.memory_space<semaphore_mem>>)
      %dma_wait3A_129 = arith.constant 0 : i32
      %dma_wait3A_130 = tpu.memref_slice %arg5[%run_scoped3A_7, %dma_wait3A_129] : memref<4x128xi32, #tpu.memory_space<vmem>> -> memref<1x128xi32, #tpu.memory_space<vmem>>
      %dma_wait3A_131 = tpu.memref_squeeze %dma_wait3A_130 : memref<1x128xi32, #tpu.memory_space<vmem>> -> memref<128xi32, #tpu.memory_space<vmem>>
      %dma_wait3A_132 = tpu.memref_slice %arg2[%add3A_6] : memref<16384xi32, #tpu.memory_space<hbm>> -> memref<128xi32, #tpu.memory_space<hbm>>
      %dma_wait3A_133 = arith.constant 0 : i32
      %dma_wait3A_134 = tpu.memref_slice %arg5[%run_scoped3A_7, %dma_wait3A_133] : memref<4x128xi32, #tpu.memory_space<vmem>> -> memref<1x128xi32, #tpu.memory_space<vmem>>
      %dma_wait3A_135 = tpu.memref_squeeze %dma_wait3A_134 : memref<1x128xi32, #tpu.memory_space<vmem>> -> memref<128xi32, #tpu.memory_space<vmem>>
      %dma_wait3A_136 = tpu.memref_slice %arg2[%add3A_6] : memref<16384xi32, #tpu.memory_space<hbm>> -> memref<128xi32, #tpu.memory_space<hbm>>
      tpu.wait_dma2 semaphore(%run_scoped3A_120 : memref<!tpu.dma_semaphore, #tpu.memory_space<semaphore_mem>>) src(%dma_wait3A_136 : memref<128xi32, #tpu.memory_space<hbm>>) dst(%dma_wait3A_135 : memref<128xi32, #tpu.memory_space<vmem>>)
      tpu.yield
    }) : () -> ()
    %add3A_8 = arith.constant 256 : i32
    %add3A_9 = arith.addi %mul3A_2, %add3A_8 : i32
    %run_scoped3A_10 = arith.constant 2 : i32
    "tpu.region"() ({
      %run_scoped3A_120 = tpu.sem_alloc : memref<!tpu.dma_semaphore, #tpu.memory_space<semaphore_mem>>
      %dma_start3A_121 = arith.constant 0 : i32
      %dma_start3A_122 = tpu.memref_slice %arg5[%run_scoped3A_10, %dma_start3A_121] : memref<4x128xi32, #tpu.memory_space<vmem>> -> memref<1x128xi32, #tpu.memory_space<vmem>>
      %dma_start3A_123 = tpu.memref_squeeze %dma_start3A_122 : memref<1x128xi32, #tpu.memory_space<vmem>> -> memref<128xi32, #tpu.memory_space<vmem>>
      %dma_start3A_124 = tpu.memref_slice %arg2[%add3A_9] : memref<16384xi32, #tpu.memory_space<hbm>> -> memref<128xi32, #tpu.memory_space<hbm>>
      %dma_start3A_125 = arith.constant 0 : i32
      %dma_start3A_126 = tpu.memref_slice %arg5[%run_scoped3A_10, %dma_start3A_125] : memref<4x128xi32, #tpu.memory_space<vmem>> -> memref<1x128xi32, #tpu.memory_space<vmem>>
      %dma_start3A_127 = tpu.memref_squeeze %dma_start3A_126 : memref<1x128xi32, #tpu.memory_space<vmem>> -> memref<128xi32, #tpu.memory_space<vmem>>
      %dma_start3A_128 = tpu.memref_slice %arg2[%add3A_9] : memref<16384xi32, #tpu.memory_space<hbm>> -> memref<128xi32, #tpu.memory_space<hbm>>
      tpu.enqueue_dma source(%dma_start3A_128 : memref<128xi32, #tpu.memory_space<hbm>>) target(%dma_start3A_127 : memref<128xi32, #tpu.memory_space<vmem>>) target_semaphore(%run_scoped3A_120 : memref<!tpu.dma_semaphore, #tpu.memory_space<semaphore_mem>>)
      %dma_wait3A_129 = arith.constant 0 : i32
      %dma_wait3A_130 = tpu.memref_slice %arg5[%run_scoped3A_10, %dma_wait3A_129] : memref<4x128xi32, #tpu.memory_space<vmem>> -> memref<1x128xi32, #tpu.memory_space<vmem>>
      %dma_wait3A_131 = tpu.memref_squeeze %dma_wait3A_130 : memref<1x128xi32, #tpu.memory_space<vmem>> -> memref<128xi32, #tpu.memory_space<vmem>>
      %dma_wait3A_132 = tpu.memref_slice %arg2[%add3A_9] : memref<16384xi32, #tpu.memory_space<hbm>> -> memref<128xi32, #tpu.memory_space<hbm>>
      %dma_wait3A_133 = arith.constant 0 : i32
      %dma_wait3A_134 = tpu.memref_slice %arg5[%run_scoped3A_10, %dma_wait3A_133] : memref<4x128xi32, #tpu.memory_space<vmem>> -> memref<1x128xi32, #tpu.memory_space<vmem>>
      %dma_wait3A_135 = tpu.memref_squeeze %dma_wait3A_134 : memref<1x128xi32, #tpu.memory_space<vmem>> -> memref<128xi32, #tpu.memory_space<vmem>>
      %dma_wait3A_136 = tpu.memref_slice %arg2[%add3A_9] : memref<16384xi32, #tpu.memory_space<hbm>> -> memref<128xi32, #tpu.memory_space<hbm>>
      tpu.wait_dma2 semaphore(%run_scoped3A_120 : memref<!tpu.dma_semaphore, #tpu.memory_space<semaphore_mem>>) src(%dma_wait3A_136 : memref<128xi32, #tpu.memory_space<hbm>>) dst(%dma_wait3A_135 : memref<128xi32, #tpu.memory_space<vmem>>)
      tpu.yield
    }) : () -> ()
    %add3A_11 = arith.constant 384 : i32
    %add3A_12 = arith.addi %mul3A_2, %add3A_11 : i32
    %run_scoped3A_13 = arith.constant 3 : i32
    "tpu.region"() ({
      %run_scoped3A_120 = tpu.sem_alloc : memref<!tpu.dma_semaphore, #tpu.memory_space<semaphore_mem>>
      %dma_start3A_121 = arith.constant 0 : i32
      %dma_start3A_122 = tpu.memref_slice %arg5[%run_scoped3A_13, %dma_start3A_121] : memref<4x128xi32, #tpu.memory_space<vmem>> -> memref<1x128xi32, #tpu.memory_space<vmem>>
      %dma_start3A_123 = tpu.memref_squeeze %dma_start3A_122 : memref<1x128xi32, #tpu.memory_space<vmem>> -> memref<128xi32, #tpu.memory_space<vmem>>
      %dma_start3A_124 = tpu.memref_slice %arg2[%add3A_12] : memref<16384xi32, #tpu.memory_space<hbm>> -> memref<128xi32, #tpu.memory_space<hbm>>
      %dma_start3A_125 = arith.constant 0 : i32
      %dma_start3A_126 = tpu.memref_slice %arg5[%run_scoped3A_13, %dma_start3A_125] : memref<4x128xi32, #tpu.memory_space<vmem>> -> memref<1x128xi32, #tpu.memory_space<vmem>>
      %dma_start3A_127 = tpu.memref_squeeze %dma_start3A_126 : memref<1x128xi32, #tpu.memory_space<vmem>> -> memref<128xi32, #tpu.memory_space<vmem>>
      %dma_start3A_128 = tpu.memref_slice %arg2[%add3A_12] : memref<16384xi32, #tpu.memory_space<hbm>> -> memref<128xi32, #tpu.memory_space<hbm>>
      tpu.enqueue_dma source(%dma_start3A_128 : memref<128xi32, #tpu.memory_space<hbm>>) target(%dma_start3A_127 : memref<128xi32, #tpu.memory_space<vmem>>) target_semaphore(%run_scoped3A_120 : memref<!tpu.dma_semaphore, #tpu.memory_space<semaphore_mem>>)
      %dma_wait3A_129 = arith.constant 0 : i32
      %dma_wait3A_130 = tpu.memref_slice %arg5[%run_scoped3A_13, %dma_wait3A_129] : memref<4x128xi32, #tpu.memory_space<vmem>> -> memref<1x128xi32, #tpu.memory_space<vmem>>
      %dma_wait3A_131 = tpu.memref_squeeze %dma_wait3A_130 : memref<1x128xi32, #tpu.memory_space<vmem>> -> memref<128xi32, #tpu.memory_space<vmem>>
      %dma_wait3A_132 = tpu.memref_slice %arg2[%add3A_12] : memref<16384xi32, #tpu.memory_space<hbm>> -> memref<128xi32, #tpu.memory_space<hbm>>
      %dma_wait3A_133 = arith.constant 0 : i32
      %dma_wait3A_134 = tpu.memref_slice %arg5[%run_scoped3A_13, %dma_wait3A_133] : memref<4x128xi32, #tpu.memory_space<vmem>> -> memref<1x128xi32, #tpu.memory_space<vmem>>
      %dma_wait3A_135 = tpu.memref_squeeze %dma_wait3A_134 : memref<1x128xi32, #tpu.memory_space<vmem>> -> memref<128xi32, #tpu.memory_space<vmem>>
      %dma_wait3A_136 = tpu.memref_slice %arg2[%add3A_12] : memref<16384xi32, #tpu.memory_space<hbm>> -> memref<128xi32, #tpu.memory_space<hbm>>
      tpu.wait_dma2 semaphore(%run_scoped3A_120 : memref<!tpu.dma_semaphore, #tpu.memory_space<semaphore_mem>>) src(%dma_wait3A_136 : memref<128xi32, #tpu.memory_space<hbm>>) dst(%dma_wait3A_135 : memref<128xi32, #tpu.memory_space<vmem>>)
      tpu.yield
    }) : () -> ()
    %dma_start3A = arith.constant 0 : i32
    %dma_start3A_14 = arith.constant 0 : i32
    %dma_start3A_15 = arith.constant 0 : i32
    %dma_start3A_16 = tpu.memref_slice %arg6[%dma_start3A_14, %dma_start3A_15] : memref<512x32xf32, #tpu.memory_space<vmem>> -> memref<128x32xf32, #tpu.memory_space<vmem>>
    %dma_start3A_17 = arith.constant 0 : i32
    %dma_start3A_18 = tpu.memref_slice %arg5[%dma_start3A, %dma_start3A_17] : memref<4x128xi32, #tpu.memory_space<vmem>> -> memref<1x128xi32, #tpu.memory_space<vmem>>
    %dma_start3A_19 = tpu.memref_squeeze %dma_start3A_18 : memref<1x128xi32, #tpu.memory_space<vmem>> -> memref<128xi32, #tpu.memory_space<vmem>>
    %dma_start3A_20 = arith.constant 0 : i32
    %dma_start3A_21 = arith.constant 0 : i32
    %dma_start3A_22 = tpu.memref_slice %arg3[%dma_start3A_20, %dma_start3A_21] : memref<1000001x32xf32, #tpu.memory_space<hbm>> -> memref<1000001x32xf32, #tpu.memory_space<hbm>>
    tpu.enqueue_indirect_dma source(%dma_start3A_22 : memref<1000001x32xf32, #tpu.memory_space<hbm>>) target(%dma_start3A_16 : memref<128x32xf32, #tpu.memory_space<vmem>>) offsets(%dma_start3A_19 : memref<128xi32, #tpu.memory_space<vmem>>) semaphore(%arg7 : memref<!tpu.dma_semaphore, #tpu.memory_space<semaphore_mem>>)
    %dma_start3A_23 = arith.constant 1 : i32
    %dma_start3A_24 = arith.constant 128 : i32
    %dma_start3A_25 = arith.constant 0 : i32
    %dma_start3A_26 = tpu.memref_slice %arg6[%dma_start3A_24, %dma_start3A_25] : memref<512x32xf32, #tpu.memory_space<vmem>> -> memref<128x32xf32, #tpu.memory_space<vmem>>
    %dma_start3A_27 = arith.constant 0 : i32
    %dma_start3A_28 = tpu.memref_slice %arg5[%dma_start3A_23, %dma_start3A_27] : memref<4x128xi32, #tpu.memory_space<vmem>> -> memref<1x128xi32, #tpu.memory_space<vmem>>
    %dma_start3A_29 = tpu.memref_squeeze %dma_start3A_28 : memref<1x128xi32, #tpu.memory_space<vmem>> -> memref<128xi32, #tpu.memory_space<vmem>>
    %dma_start3A_30 = arith.constant 0 : i32
    %dma_start3A_31 = arith.constant 0 : i32
    %dma_start3A_32 = tpu.memref_slice %arg3[%dma_start3A_30, %dma_start3A_31] : memref<1000001x32xf32, #tpu.memory_space<hbm>> -> memref<1000001x32xf32, #tpu.memory_space<hbm>>
    tpu.enqueue_indirect_dma source(%dma_start3A_32 : memref<1000001x32xf32, #tpu.memory_space<hbm>>) target(%dma_start3A_26 : memref<128x32xf32, #tpu.memory_space<vmem>>) offsets(%dma_start3A_29 : memref<128xi32, #tpu.memory_space<vmem>>) semaphore(%arg7 : memref<!tpu.dma_semaphore, #tpu.memory_space<semaphore_mem>>)
    %dma_start3A_33 = arith.constant 2 : i32
    %dma_start3A_34 = arith.constant 256 : i32
    %dma_start3A_35 = arith.constant 0 : i32
    %dma_start3A_36 = tpu.memref_slice %arg6[%dma_start3A_34, %dma_start3A_35] : memref<512x32xf32, #tpu.memory_space<vmem>> -> memref<128x32xf32, #tpu.memory_space<vmem>>
    %dma_start3A_37 = arith.constant 0 : i32
    %dma_start3A_38 = tpu.memref_slice %arg5[%dma_start3A_33, %dma_start3A_37] : memref<4x128xi32, #tpu.memory_space<vmem>> -> memref<1x128xi32, #tpu.memory_space<vmem>>
    %dma_start3A_39 = tpu.memref_squeeze %dma_start3A_38 : memref<1x128xi32, #tpu.memory_space<vmem>> -> memref<128xi32, #tpu.memory_space<vmem>>
    %dma_start3A_40 = arith.constant 0 : i32
    %dma_start3A_41 = arith.constant 0 : i32
    %dma_start3A_42 = tpu.memref_slice %arg3[%dma_start3A_40, %dma_start3A_41] : memref<1000001x32xf32, #tpu.memory_space<hbm>> -> memref<1000001x32xf32, #tpu.memory_space<hbm>>
    tpu.enqueue_indirect_dma source(%dma_start3A_42 : memref<1000001x32xf32, #tpu.memory_space<hbm>>) target(%dma_start3A_36 : memref<128x32xf32, #tpu.memory_space<vmem>>) offsets(%dma_start3A_39 : memref<128xi32, #tpu.memory_space<vmem>>) semaphore(%arg7 : memref<!tpu.dma_semaphore, #tpu.memory_space<semaphore_mem>>)
    %dma_start3A_43 = arith.constant 3 : i32
    %dma_start3A_44 = arith.constant 384 : i32
    %dma_start3A_45 = arith.constant 0 : i32
    %dma_start3A_46 = tpu.memref_slice %arg6[%dma_start3A_44, %dma_start3A_45] : memref<512x32xf32, #tpu.memory_space<vmem>> -> memref<128x32xf32, #tpu.memory_space<vmem>>
    %dma_start3A_47 = arith.constant 0 : i32
    %dma_start3A_48 = tpu.memref_slice %arg5[%dma_start3A_43, %dma_start3A_47] : memref<4x128xi32, #tpu.memory_space<vmem>> -> memref<1x128xi32, #tpu.memory_space<vmem>>
    %dma_start3A_49 = tpu.memref_squeeze %dma_start3A_48 : memref<1x128xi32, #tpu.memory_space<vmem>> -> memref<128xi32, #tpu.memory_space<vmem>>
    %dma_start3A_50 = arith.constant 0 : i32
    %dma_start3A_51 = arith.constant 0 : i32
    %dma_start3A_52 = tpu.memref_slice %arg3[%dma_start3A_50, %dma_start3A_51] : memref<1000001x32xf32, #tpu.memory_space<hbm>> -> memref<1000001x32xf32, #tpu.memory_space<hbm>>
    tpu.enqueue_indirect_dma source(%dma_start3A_52 : memref<1000001x32xf32, #tpu.memory_space<hbm>>) target(%dma_start3A_46 : memref<128x32xf32, #tpu.memory_space<vmem>>) offsets(%dma_start3A_49 : memref<128xi32, #tpu.memory_space<vmem>>) semaphore(%arg7 : memref<!tpu.dma_semaphore, #tpu.memory_space<semaphore_mem>>)
    %dma_wait3A = arith.constant 0 : i32
    %dma_wait3A_53 = arith.constant 0 : i32
    %dma_wait3A_54 = arith.constant 0 : i32
    %dma_wait3A_55 = tpu.memref_slice %arg6[%dma_wait3A_53, %dma_wait3A_54] : memref<512x32xf32, #tpu.memory_space<vmem>> -> memref<128x32xf32, #tpu.memory_space<vmem>>
    %dma_wait3A_56 = arith.constant 0 : i32
    %dma_wait3A_57 = tpu.memref_slice %arg5[%dma_wait3A, %dma_wait3A_56] : memref<4x128xi32, #tpu.memory_space<vmem>> -> memref<1x128xi32, #tpu.memory_space<vmem>>
    %dma_wait3A_58 = tpu.memref_squeeze %dma_wait3A_57 : memref<1x128xi32, #tpu.memory_space<vmem>> -> memref<128xi32, #tpu.memory_space<vmem>>
    %dma_wait3A_59 = arith.constant 0 : i32
    %dma_wait3A_60 = arith.constant 0 : i32
    %dma_wait3A_61 = tpu.memref_slice %arg3[%dma_wait3A_59, %dma_wait3A_60] : memref<1000001x32xf32, #tpu.memory_space<hbm>> -> memref<1000001x32xf32, #tpu.memory_space<hbm>>
    tpu.wait_indirect_dma semaphore(%arg7 : memref<!tpu.dma_semaphore, #tpu.memory_space<semaphore_mem>>) src(%dma_wait3A_61 : memref<1000001x32xf32, #tpu.memory_space<hbm>>) dst(%dma_wait3A_55 : memref<128x32xf32, #tpu.memory_space<vmem>>)
    %dma_wait3A_62 = arith.constant 1 : i32
    %dma_wait3A_63 = arith.constant 128 : i32
    %dma_wait3A_64 = arith.constant 0 : i32
    %dma_wait3A_65 = tpu.memref_slice %arg6[%dma_wait3A_63, %dma_wait3A_64] : memref<512x32xf32, #tpu.memory_space<vmem>> -> memref<128x32xf32, #tpu.memory_space<vmem>>
    %dma_wait3A_66 = arith.constant 0 : i32
    %dma_wait3A_67 = tpu.memref_slice %arg5[%dma_wait3A_62, %dma_wait3A_66] : memref<4x128xi32, #tpu.memory_space<vmem>> -> memref<1x128xi32, #tpu.memory_space<vmem>>
    %dma_wait3A_68 = tpu.memref_squeeze %dma_wait3A_67 : memref<1x128xi32, #tpu.memory_space<vmem>> -> memref<128xi32, #tpu.memory_space<vmem>>
    %dma_wait3A_69 = arith.constant 0 : i32
    %dma_wait3A_70 = arith.constant 0 : i32
    %dma_wait3A_71 = tpu.memref_slice %arg3[%dma_wait3A_69, %dma_wait3A_70] : memref<1000001x32xf32, #tpu.memory_space<hbm>> -> memref<1000001x32xf32, #tpu.memory_space<hbm>>
    tpu.wait_indirect_dma semaphore(%arg7 : memref<!tpu.dma_semaphore, #tpu.memory_space<semaphore_mem>>) src(%dma_wait3A_71 : memref<1000001x32xf32, #tpu.memory_space<hbm>>) dst(%dma_wait3A_65 : memref<128x32xf32, #tpu.memory_space<vmem>>)
    %dma_wait3A_72 = arith.constant 2 : i32
    %dma_wait3A_73 = arith.constant 256 : i32
    %dma_wait3A_74 = arith.constant 0 : i32
    %dma_wait3A_75 = tpu.memref_slice %arg6[%dma_wait3A_73, %dma_wait3A_74] : memref<512x32xf32, #tpu.memory_space<vmem>> -> memref<128x32xf32, #tpu.memory_space<vmem>>
    %dma_wait3A_76 = arith.constant 0 : i32
    %dma_wait3A_77 = tpu.memref_slice %arg5[%dma_wait3A_72, %dma_wait3A_76] : memref<4x128xi32, #tpu.memory_space<vmem>> -> memref<1x128xi32, #tpu.memory_space<vmem>>
    %dma_wait3A_78 = tpu.memref_squeeze %dma_wait3A_77 : memref<1x128xi32, #tpu.memory_space<vmem>> -> memref<128xi32, #tpu.memory_space<vmem>>
    %dma_wait3A_79 = arith.constant 0 : i32
    %dma_wait3A_80 = arith.constant 0 : i32
    %dma_wait3A_81 = tpu.memref_slice %arg3[%dma_wait3A_79, %dma_wait3A_80] : memref<1000001x32xf32, #tpu.memory_space<hbm>> -> memref<1000001x32xf32, #tpu.memory_space<hbm>>
    tpu.wait_indirect_dma semaphore(%arg7 : memref<!tpu.dma_semaphore, #tpu.memory_space<semaphore_mem>>) src(%dma_wait3A_81 : memref<1000001x32xf32, #tpu.memory_space<hbm>>) dst(%dma_wait3A_75 : memref<128x32xf32, #tpu.memory_space<vmem>>)
    %dma_wait3A_82 = arith.constant 3 : i32
    %dma_wait3A_83 = arith.constant 384 : i32
    %dma_wait3A_84 = arith.constant 0 : i32
    %dma_wait3A_85 = tpu.memref_slice %arg6[%dma_wait3A_83, %dma_wait3A_84] : memref<512x32xf32, #tpu.memory_space<vmem>> -> memref<128x32xf32, #tpu.memory_space<vmem>>
    %dma_wait3A_86 = arith.constant 0 : i32
    %dma_wait3A_87 = tpu.memref_slice %arg5[%dma_wait3A_82, %dma_wait3A_86] : memref<4x128xi32, #tpu.memory_space<vmem>> -> memref<1x128xi32, #tpu.memory_space<vmem>>
    %dma_wait3A_88 = tpu.memref_squeeze %dma_wait3A_87 : memref<1x128xi32, #tpu.memory_space<vmem>> -> memref<128xi32, #tpu.memory_space<vmem>>
    %dma_wait3A_89 = arith.constant 0 : i32
    %dma_wait3A_90 = arith.constant 0 : i32
    %dma_wait3A_91 = tpu.memref_slice %arg3[%dma_wait3A_89, %dma_wait3A_90] : memref<1000001x32xf32, #tpu.memory_space<hbm>> -> memref<1000001x32xf32, #tpu.memory_space<hbm>>
    tpu.wait_indirect_dma semaphore(%arg7 : memref<!tpu.dma_semaphore, #tpu.memory_space<semaphore_mem>>) src(%dma_wait3A_91 : memref<1000001x32xf32, #tpu.memory_space<hbm>>) dst(%dma_wait3A_85 : memref<128x32xf32, #tpu.memory_space<vmem>>)
    %broadcast_in_dim3A = arith.constant 0.000000e+00 : f32
    %broadcast_in_dim3A_92 = vector.broadcast %broadcast_in_dim3A : f32 to vector<16xf32>
    %scan3A = arith.constant 0 : i32
    %scan3A_93 = arith.constant 0 : i32
    %scan3A_94 = arith.constant 0 : i32
    %scan3A_95 = arith.constant 8 : i32
    %scan3A_96 = arith.addi %scan3A_94, %scan3A_95 : i32
    %scan3A_97 = arith.constant 1 : i32
    scf.for %scan3A_120 = %scan3A_94 to %scan3A_96 step %scan3A_97  : i32 {
      %mul3A_121 = arith.constant 16 : i32
      %mul3A_122 = arith.muli %scan3A_120, %mul3A_121 : i32
      %get3A = arith.constant 0 : i32
      %get3A_123 = tpu.memref_slice %arg5[%scan3A_93, %get3A] : memref<4x128xi32, #tpu.memory_space<vmem>> -> memref<1x128xi32, #tpu.memory_space<vmem>>
      %get3A_124 = tpu.memref_squeeze %get3A_123 : memref<1x128xi32, #tpu.memory_space<vmem>> -> memref<128xi32, #tpu.memory_space<vmem>>
      %get3A_125 = arith.index_cast %mul3A_122 : i32 to index
      %get3A_126 = tpu.vector_load %get3A_124[%get3A_125] {strides = array<i32>} : memref<128xi32, #tpu.memory_space<vmem>>, vector<16xi32>,
      %reduce_min3A = arith.constant true
      %reduce_min3A_127 = vector.broadcast %reduce_min3A : i1 to vector<16xi1>
      %reduce_min3A_128 = arith.constant -2147483648 : i32
      %reduce_min3A_129 = vector.broadcast %reduce_min3A_128 : i32 to vector<16xi32>
      %reduce_min3A_130 = arith.xori %get3A_126, %reduce_min3A_129 : vector<16xi32>
      %reduce_min3A_131 = tpu.scan <min>, %reduce_min3A_130 masked %reduce_min3A_127 : vector<16xi32>, vector<16xi1> -> vector<16xi32>
      %reduce_min3A_132 = arith.xori %reduce_min3A_131, %reduce_min3A_129 : vector<16xi32>
      %reduce_min3A_133 = vector.extract %reduce_min3A_132[15] : i32 from vector<16xi32>
      %eq3A = arith.constant 0 : i32
      %eq3A_134 = arith.cmpi eq, %reduce_min3A_133, %eq3A : i32
      %convert_element_type3A = arith.extui %eq3A_134 : i1 to i32
      %cond3A = arith.constant 0 : i32
      %cond3A_135 = arith.cmpi ne, %convert_element_type3A, %cond3A : i32
      scf.if %cond3A_135 {
        %scan3A_136 = arith.constant 0 : i32
        %scan3A_137 = arith.constant 0 : i32
        %scan3A_138 = arith.constant 16 : i32
        %scan3A_139 = arith.addi %scan3A_137, %scan3A_138 : i32
        %scan3A_140 = arith.constant 1 : i32
        scf.for %scan3A_142 = %scan3A_137 to %scan3A_139 step %scan3A_140  : i32 {
          %mul3A_143 = arith.constant 16 : i32
          %mul3A_144 = arith.muli %scan3A_120, %mul3A_143 : i32
          %add3A_145 = arith.addi %mul3A_144, %scan3A_142 : i32
          %broadcast_in_dim3A_146 = vector.broadcast %add3A_145 : i32 to vector<16xi32>
          %gather3A = arith.constant 0 : i32
          %gather3A_147 = tpu.memref_slice %arg5[%scan3A_93, %gather3A] : memref<4x128xi32, #tpu.memory_space<vmem>> -> memref<1x128xi32, #tpu.memory_space<vmem>>
          %gather3A_148 = tpu.memref_squeeze %gather3A_147 : memref<1x128xi32, #tpu.memory_space<vmem>> -> memref<128xi32, #tpu.memory_space<vmem>>
          %gather3A_149 = tpu.vector_load_idx %gather3A_148[%broadcast_in_dim3A_146] : memref<128xi32, #tpu.memory_space<vmem>>[vector<16xi32>], vector<16xi32>,
          %eq3A_150 = arith.constant 0 : i32
          %eq3A_151 = vector.broadcast %eq3A_150 : i32 to vector<16xi32>
          %eq3A_152 = arith.cmpi eq, %gather3A_149, %eq3A_151 : vector<16xi32>
          %add3A_153 = arith.constant 0 : i32
          %add3A_154 = arith.addi %add3A_153, %add3A_145 : i32
          %get3A_155 = arith.index_cast %add3A_154 : i32 to index
          %get3A_156 = arith.constant 0 : index
          %get3A_157 = tpu.vector_load %arg6[%get3A_155, %get3A_156] {strides = array<i32>} : memref<512x32xf32, #tpu.memory_space<vmem>>, vector<16xf32>,
          %select_n3A = arith.select %eq3A_152, %broadcast_in_dim3A_92, %get3A_157 : vector<16xi1>, vector<16xf32>
          %swap3A = arith.index_cast %add3A_154 : i32 to index
          %swap3A_158 = arith.constant 0 : index
          %swap3A_159 = tpu.vector_load %arg6[%swap3A, %swap3A_158] {strides = array<i32>} : memref<512x32xf32, #tpu.memory_space<vmem>>, vector<16xf32>,
          tpu.vector_store %arg6[%swap3A, %swap3A_158], %select_n3A {strides = array<i32>} : memref<512x32xf32, #tpu.memory_space<vmem>>, vector<16xf32>,
          %get3A_160 = arith.index_cast %add3A_154 : i32 to index
          %get3A_161 = arith.constant 16 : index
          %get3A_162 = tpu.vector_load %arg6[%get3A_160, %get3A_161] {strides = array<i32>} : memref<512x32xf32, #tpu.memory_space<vmem>>, vector<16xf32>,
          %select_n3A_163 = arith.select %eq3A_152, %broadcast_in_dim3A_92, %get3A_162 : vector<16xi1>, vector<16xf32>
          %swap3A_164 = arith.index_cast %add3A_154 : i32 to index
          %swap3A_165 = arith.constant 16 : index
          %swap3A_166 = tpu.vector_load %arg6[%swap3A_164, %swap3A_165] {strides = array<i32>} : memref<512x32xf32, #tpu.memory_space<vmem>>, vector<16xf32>,
          tpu.vector_store %arg6[%swap3A_164, %swap3A_165], %select_n3A_163 {strides = array<i32>} : memref<512x32xf32, #tpu.memory_space<vmem>>, vector<16xf32>,
        }
        %scan3A_141 = arith.constant 16 : i32
      } else {
      }
    }
    %scan3A_98 = arith.constant 8 : i32
    %scan3A_99 = arith.constant 0 : i32
    %scan3A_100 = arith.constant 1 : i32
    %scan3A_101 = arith.constant 0 : i32
    %scan3A_102 = arith.constant 8 : i32
    %scan3A_103 = arith.addi %scan3A_101, %scan3A_102 : i32
    %scan3A_104 = arith.constant 1 : i32
    scf.for %scan3A_120 = %scan3A_101 to %scan3A_103 step %scan3A_104  : i32 {
      %mul3A_121 = arith.constant 16 : i32
      %mul3A_122 = arith.muli %scan3A_120, %mul3A_121 : i32
      %get3A = arith.constant 0 : i32
      %get3A_123 = tpu.memref_slice %arg5[%scan3A_100, %get3A] : memref<4x128xi32, #tpu.memory_space<vmem>> -> memref<1x128xi32, #tpu.memory_space<vmem>>
      %get3A_124 = tpu.memref_squeeze %get3A_123 : memref<1x128xi32, #tpu.memory_space<vmem>> -> memref<128xi32, #tpu.memory_space<vmem>>
      %get3A_125 = arith.index_cast %mul3A_122 : i32 to index
      %get3A_126 = tpu.vector_load %get3A_124[%get3A_125] {strides = array<i32>} : memref<128xi32, #tpu.memory_space<vmem>>, vector<16xi32>,
      %reduce_min3A = arith.constant true
      %reduce_min3A_127 = vector.broadcast %reduce_min3A : i1 to vector<16xi1>
      %reduce_min3A_128 = arith.constant -2147483648 : i32
      %reduce_min3A_129 = vector.broadcast %reduce_min3A_128 : i32 to vector<16xi32>
      %reduce_min3A_130 = arith.xori %get3A_126, %reduce_min3A_129 : vector<16xi32>
      %reduce_min3A_131 = tpu.scan <min>, %reduce_min3A_130 masked %reduce_min3A_127 : vector<16xi32>, vector<16xi1> -> vector<16xi32>
      %reduce_min3A_132 = arith.xori %reduce_min3A_131, %reduce_min3A_129 : vector<16xi32>
      %reduce_min3A_133 = vector.extract %reduce_min3A_132[15] : i32 from vector<16xi32>
      %eq3A = arith.constant 0 : i32
      %eq3A_134 = arith.cmpi eq, %reduce_min3A_133, %eq3A : i32
      %convert_element_type3A = arith.extui %eq3A_134 : i1 to i32
      %cond3A = arith.constant 0 : i32
      %cond3A_135 = arith.cmpi ne, %convert_element_type3A, %cond3A : i32
      scf.if %cond3A_135 {
        %scan3A_136 = arith.constant 0 : i32
        %scan3A_137 = arith.constant 0 : i32
        %scan3A_138 = arith.constant 16 : i32
        %scan3A_139 = arith.addi %scan3A_137, %scan3A_138 : i32
        %scan3A_140 = arith.constant 1 : i32
        scf.for %scan3A_142 = %scan3A_137 to %scan3A_139 step %scan3A_140  : i32 {
          %mul3A_143 = arith.constant 16 : i32
          %mul3A_144 = arith.muli %scan3A_120, %mul3A_143 : i32
          %add3A_145 = arith.addi %mul3A_144, %scan3A_142 : i32
          %broadcast_in_dim3A_146 = vector.broadcast %add3A_145 : i32 to vector<16xi32>
          %gather3A = arith.constant 0 : i32
          %gather3A_147 = tpu.memref_slice %arg5[%scan3A_100, %gather3A] : memref<4x128xi32, #tpu.memory_space<vmem>> -> memref<1x128xi32, #tpu.memory_space<vmem>>
          %gather3A_148 = tpu.memref_squeeze %gather3A_147 : memref<1x128xi32, #tpu.memory_space<vmem>> -> memref<128xi32, #tpu.memory_space<vmem>>
          %gather3A_149 = tpu.vector_load_idx %gather3A_148[%broadcast_in_dim3A_146] : memref<128xi32, #tpu.memory_space<vmem>>[vector<16xi32>], vector<16xi32>,
          %eq3A_150 = arith.constant 0 : i32
          %eq3A_151 = vector.broadcast %eq3A_150 : i32 to vector<16xi32>
          %eq3A_152 = arith.cmpi eq, %gather3A_149, %eq3A_151 : vector<16xi32>
          %add3A_153 = arith.constant 128 : i32
          %add3A_154 = arith.addi %add3A_153, %add3A_145 : i32
          %get3A_155 = arith.index_cast %add3A_154 : i32 to index
          %get3A_156 = arith.constant 0 : index
          %get3A_157 = tpu.vector_load %arg6[%get3A_155, %get3A_156] {strides = array<i32>} : memref<512x32xf32, #tpu.memory_space<vmem>>, vector<16xf32>,
          %select_n3A = arith.select %eq3A_152, %broadcast_in_dim3A_92, %get3A_157 : vector<16xi1>, vector<16xf32>
          %swap3A = arith.index_cast %add3A_154 : i32 to index
          %swap3A_158 = arith.constant 0 : index
          %swap3A_159 = tpu.vector_load %arg6[%swap3A, %swap3A_158] {strides = array<i32>} : memref<512x32xf32, #tpu.memory_space<vmem>>, vector<16xf32>,
          tpu.vector_store %arg6[%swap3A, %swap3A_158], %select_n3A {strides = array<i32>} : memref<512x32xf32, #tpu.memory_space<vmem>>, vector<16xf32>,
          %get3A_160 = arith.index_cast %add3A_154 : i32 to index
          %get3A_161 = arith.constant 16 : index
          %get3A_162 = tpu.vector_load %arg6[%get3A_160, %get3A_161] {strides = array<i32>} : memref<512x32xf32, #tpu.memory_space<vmem>>, vector<16xf32>,
          %select_n3A_163 = arith.select %eq3A_152, %broadcast_in_dim3A_92, %get3A_162 : vector<16xi1>, vector<16xf32>
          %swap3A_164 = arith.index_cast %add3A_154 : i32 to index
          %swap3A_165 = arith.constant 16 : index
          %swap3A_166 = tpu.vector_load %arg6[%swap3A_164, %swap3A_165] {strides = array<i32>} : memref<512x32xf32, #tpu.memory_space<vmem>>, vector<16xf32>,
          tpu.vector_store %arg6[%swap3A_164, %swap3A_165], %select_n3A_163 {strides = array<i32>} : memref<512x32xf32, #tpu.memory_space<vmem>>, vector<16xf32>,
        }
        %scan3A_141 = arith.constant 16 : i32
      } else {
      }
    }
    %scan3A_105 = arith.constant 8 : i32
    %scan3A_106 = arith.constant 0 : i32
    %scan3A_107 = arith.constant 2 : i32
    %scan3A_108 = arith.constant 0 : i32
    %scan3A_109 = arith.constant 8 : i32
    %scan3A_110 = arith.addi %scan3A_108, %scan3A_109 : i32
    %scan3A_111 = arith.constant 1 : i32
    scf.for %scan3A_120 = %scan3A_108 to %scan3A_110 step %scan3A_111  : i32 {
      %mul3A_121 = arith.constant 16 : i32
      %mul3A_122 = arith.muli %scan3A_120, %mul3A_121 : i32
      %get3A = arith.constant 0 : i32
      %get3A_123 = tpu.memref_slice %arg5[%scan3A_107, %get3A] : memref<4x128xi32, #tpu.memory_space<vmem>> -> memref<1x128xi32, #tpu.memory_space<vmem>>
      %get3A_124 = tpu.memref_squeeze %get3A_123 : memref<1x128xi32, #tpu.memory_space<vmem>> -> memref<128xi32, #tpu.memory_space<vmem>>
      %get3A_125 = arith.index_cast %mul3A_122 : i32 to index
      %get3A_126 = tpu.vector_load %get3A_124[%get3A_125] {strides = array<i32>} : memref<128xi32, #tpu.memory_space<vmem>>, vector<16xi32>,
      %reduce_min3A = arith.constant true
      %reduce_min3A_127 = vector.broadcast %reduce_min3A : i1 to vector<16xi1>
      %reduce_min3A_128 = arith.constant -2147483648 : i32
      %reduce_min3A_129 = vector.broadcast %reduce_min3A_128 : i32 to vector<16xi32>
      %reduce_min3A_130 = arith.xori %get3A_126, %reduce_min3A_129 : vector<16xi32>
      %reduce_min3A_131 = tpu.scan <min>, %reduce_min3A_130 masked %reduce_min3A_127 : vector<16xi32>, vector<16xi1> -> vector<16xi32>
      %reduce_min3A_132 = arith.xori %reduce_min3A_131, %reduce_min3A_129 : vector<16xi32>
      %reduce_min3A_133 = vector.extract %reduce_min3A_132[15] : i32 from vector<16xi32>
      %eq3A = arith.constant 0 : i32
      %eq3A_134 = arith.cmpi eq, %reduce_min3A_133, %eq3A : i32
      %convert_element_type3A = arith.extui %eq3A_134 : i1 to i32
      %cond3A = arith.constant 0 : i32
      %cond3A_135 = arith.cmpi ne, %convert_element_type3A, %cond3A : i32
      scf.if %cond3A_135 {
        %scan3A_136 = arith.constant 0 : i32
        %scan3A_137 = arith.constant 0 : i32
        %scan3A_138 = arith.constant 16 : i32
        %scan3A_139 = arith.addi %scan3A_137, %scan3A_138 : i32
        %scan3A_140 = arith.constant 1 : i32
        scf.for %scan3A_142 = %scan3A_137 to %scan3A_139 step %scan3A_140  : i32 {
          %mul3A_143 = arith.constant 16 : i32
          %mul3A_144 = arith.muli %scan3A_120, %mul3A_143 : i32
          %add3A_145 = arith.addi %mul3A_144, %scan3A_142 : i32
          %broadcast_in_dim3A_146 = vector.broadcast %add3A_145 : i32 to vector<16xi32>
          %gather3A = arith.constant 0 : i32
          %gather3A_147 = tpu.memref_slice %arg5[%scan3A_107, %gather3A] : memref<4x128xi32, #tpu.memory_space<vmem>> -> memref<1x128xi32, #tpu.memory_space<vmem>>
          %gather3A_148 = tpu.memref_squeeze %gather3A_147 : memref<1x128xi32, #tpu.memory_space<vmem>> -> memref<128xi32, #tpu.memory_space<vmem>>
          %gather3A_149 = tpu.vector_load_idx %gather3A_148[%broadcast_in_dim3A_146] : memref<128xi32, #tpu.memory_space<vmem>>[vector<16xi32>], vector<16xi32>,
          %eq3A_150 = arith.constant 0 : i32
          %eq3A_151 = vector.broadcast %eq3A_150 : i32 to vector<16xi32>
          %eq3A_152 = arith.cmpi eq, %gather3A_149, %eq3A_151 : vector<16xi32>
          %add3A_153 = arith.constant 256 : i32
          %add3A_154 = arith.addi %add3A_153, %add3A_145 : i32
          %get3A_155 = arith.index_cast %add3A_154 : i32 to index
          %get3A_156 = arith.constant 0 : index
          %get3A_157 = tpu.vector_load %arg6[%get3A_155, %get3A_156] {strides = array<i32>} : memref<512x32xf32, #tpu.memory_space<vmem>>, vector<16xf32>,
          %select_n3A = arith.select %eq3A_152, %broadcast_in_dim3A_92, %get3A_157 : vector<16xi1>, vector<16xf32>
          %swap3A = arith.index_cast %add3A_154 : i32 to index
          %swap3A_158 = arith.constant 0 : index
          %swap3A_159 = tpu.vector_load %arg6[%swap3A, %swap3A_158] {strides = array<i32>} : memref<512x32xf32, #tpu.memory_space<vmem>>, vector<16xf32>,
          tpu.vector_store %arg6[%swap3A, %swap3A_158], %select_n3A {strides = array<i32>} : memref<512x32xf32, #tpu.memory_space<vmem>>, vector<16xf32>,
          %get3A_160 = arith.index_cast %add3A_154 : i32 to index
          %get3A_161 = arith.constant 16 : index
          %get3A_162 = tpu.vector_load %arg6[%get3A_160, %get3A_161] {strides = array<i32>} : memref<512x32xf32, #tpu.memory_space<vmem>>, vector<16xf32>,
          %select_n3A_163 = arith.select %eq3A_152, %broadcast_in_dim3A_92, %get3A_162 : vector<16xi1>, vector<16xf32>
          %swap3A_164 = arith.index_cast %add3A_154 : i32 to index
          %swap3A_165 = arith.constant 16 : index
          %swap3A_166 = tpu.vector_load %arg6[%swap3A_164, %swap3A_165] {strides = array<i32>} : memref<512x32xf32, #tpu.memory_space<vmem>>, vector<16xf32>,
          tpu.vector_store %arg6[%swap3A_164, %swap3A_165], %select_n3A_163 {strides = array<i32>} : memref<512x32xf32, #tpu.memory_space<vmem>>, vector<16xf32>,
        }
        %scan3A_141 = arith.constant 16 : i32
      } else {
      }
    }
    %scan3A_112 = arith.constant 8 : i32
    %scan3A_113 = arith.constant 0 : i32
    %scan3A_114 = arith.constant 3 : i32
    %scan3A_115 = arith.constant 0 : i32
    %scan3A_116 = arith.constant 8 : i32
    %scan3A_117 = arith.addi %scan3A_115, %scan3A_116 : i32
    %scan3A_118 = arith.constant 1 : i32
    scf.for %scan3A_120 = %scan3A_115 to %scan3A_117 step %scan3A_118  : i32 {
      %mul3A_121 = arith.constant 16 : i32
      %mul3A_122 = arith.muli %scan3A_120, %mul3A_121 : i32
      %get3A = arith.constant 0 : i32
      %get3A_123 = tpu.memref_slice %arg5[%scan3A_114, %get3A] : memref<4x128xi32, #tpu.memory_space<vmem>> -> memref<1x128xi32, #tpu.memory_space<vmem>>
      %get3A_124 = tpu.memref_squeeze %get3A_123 : memref<1x128xi32, #tpu.memory_space<vmem>> -> memref<128xi32, #tpu.memory_space<vmem>>
      %get3A_125 = arith.index_cast %mul3A_122 : i32 to index
      %get3A_126 = tpu.vector_load %get3A_124[%get3A_125] {strides = array<i32>} : memref<128xi32, #tpu.memory_space<vmem>>, vector<16xi32>,
      %reduce_min3A = arith.constant true
      %reduce_min3A_127 = vector.broadcast %reduce_min3A : i1 to vector<16xi1>
      %reduce_min3A_128 = arith.constant -2147483648 : i32
      %reduce_min3A_129 = vector.broadcast %reduce_min3A_128 : i32 to vector<16xi32>
      %reduce_min3A_130 = arith.xori %get3A_126, %reduce_min3A_129 : vector<16xi32>
      %reduce_min3A_131 = tpu.scan <min>, %reduce_min3A_130 masked %reduce_min3A_127 : vector<16xi32>, vector<16xi1> -> vector<16xi32>
      %reduce_min3A_132 = arith.xori %reduce_min3A_131, %reduce_min3A_129 : vector<16xi32>
      %reduce_min3A_133 = vector.extract %reduce_min3A_132[15] : i32 from vector<16xi32>
      %eq3A = arith.constant 0 : i32
      %eq3A_134 = arith.cmpi eq, %reduce_min3A_133, %eq3A : i32
      %convert_element_type3A = arith.extui %eq3A_134 : i1 to i32
      %cond3A = arith.constant 0 : i32
      %cond3A_135 = arith.cmpi ne, %convert_element_type3A, %cond3A : i32
      scf.if %cond3A_135 {
        %scan3A_136 = arith.constant 0 : i32
        %scan3A_137 = arith.constant 0 : i32
        %scan3A_138 = arith.constant 16 : i32
        %scan3A_139 = arith.addi %scan3A_137, %scan3A_138 : i32
        %scan3A_140 = arith.constant 1 : i32
        scf.for %scan3A_142 = %scan3A_137 to %scan3A_139 step %scan3A_140  : i32 {
          %mul3A_143 = arith.constant 16 : i32
          %mul3A_144 = arith.muli %scan3A_120, %mul3A_143 : i32
          %add3A_145 = arith.addi %mul3A_144, %scan3A_142 : i32
          %broadcast_in_dim3A_146 = vector.broadcast %add3A_145 : i32 to vector<16xi32>
          %gather3A = arith.constant 0 : i32
          %gather3A_147 = tpu.memref_slice %arg5[%scan3A_114, %gather3A] : memref<4x128xi32, #tpu.memory_space<vmem>> -> memref<1x128xi32, #tpu.memory_space<vmem>>
          %gather3A_148 = tpu.memref_squeeze %gather3A_147 : memref<1x128xi32, #tpu.memory_space<vmem>> -> memref<128xi32, #tpu.memory_space<vmem>>
          %gather3A_149 = tpu.vector_load_idx %gather3A_148[%broadcast_in_dim3A_146] : memref<128xi32, #tpu.memory_space<vmem>>[vector<16xi32>], vector<16xi32>,
          %eq3A_150 = arith.constant 0 : i32
          %eq3A_151 = vector.broadcast %eq3A_150 : i32 to vector<16xi32>
          %eq3A_152 = arith.cmpi eq, %gather3A_149, %eq3A_151 : vector<16xi32>
          %add3A_153 = arith.constant 384 : i32
          %add3A_154 = arith.addi %add3A_153, %add3A_145 : i32
          %get3A_155 = arith.index_cast %add3A_154 : i32 to index
          %get3A_156 = arith.constant 0 : index
          %get3A_157 = tpu.vector_load %arg6[%get3A_155, %get3A_156] {strides = array<i32>} : memref<512x32xf32, #tpu.memory_space<vmem>>, vector<16xf32>,
          %select_n3A = arith.select %eq3A_152, %broadcast_in_dim3A_92, %get3A_157 : vector<16xi1>, vector<16xf32>
          %swap3A = arith.index_cast %add3A_154 : i32 to index
          %swap3A_158 = arith.constant 0 : index
          %swap3A_159 = tpu.vector_load %arg6[%swap3A, %swap3A_158] {strides = array<i32>} : memref<512x32xf32, #tpu.memory_space<vmem>>, vector<16xf32>,
          tpu.vector_store %arg6[%swap3A, %swap3A_158], %select_n3A {strides = array<i32>} : memref<512x32xf32, #tpu.memory_space<vmem>>, vector<16xf32>,
          %get3A_160 = arith.index_cast %add3A_154 : i32 to index
          %get3A_161 = arith.constant 16 : index
          %get3A_162 = tpu.vector_load %arg6[%get3A_160, %get3A_161] {strides = array<i32>} : memref<512x32xf32, #tpu.memory_space<vmem>>, vector<16xf32>,
          %select_n3A_163 = arith.select %eq3A_152, %broadcast_in_dim3A_92, %get3A_162 : vector<16xi1>, vector<16xf32>
          %swap3A_164 = arith.index_cast %add3A_154 : i32 to index
          %swap3A_165 = arith.constant 16 : index
          %swap3A_166 = tpu.vector_load %arg6[%swap3A_164, %swap3A_165] {strides = array<i32>} : memref<512x32xf32, #tpu.memory_space<vmem>>, vector<16xf32>,
          tpu.vector_store %arg6[%swap3A_164, %swap3A_165], %select_n3A_163 {strides = array<i32>} : memref<512x32xf32, #tpu.memory_space<vmem>>, vector<16xf32>,
        }
        %scan3A_141 = arith.constant 16 : i32
      } else {
      }
    }
    %scan3A_119 = arith.constant 8 : i32
    "tpu.region"() ({
      %run_scoped3A_120 = tpu.sem_alloc : memref<!tpu.dma_semaphore, #tpu.memory_space<semaphore_mem>>
      %dma_start3A_121 = arith.constant 0 : i32
      %dma_start3A_122 = tpu.memref_slice %arg4[%mul3A_2, %dma_start3A_121] : memref<16384x32xf32, #tpu.memory_space<hbm>> -> memref<512x32xf32, #tpu.memory_space<hbm>>
      %dma_start3A_123 = arith.constant 0 : i32
      %dma_start3A_124 = tpu.memref_slice %arg4[%mul3A_2, %dma_start3A_123] : memref<16384x32xf32, #tpu.memory_space<hbm>> -> memref<512x32xf32, #tpu.memory_space<hbm>>
      tpu.enqueue_dma source(%arg6 : memref<512x32xf32, #tpu.memory_space<vmem>>) target(%dma_start3A_124 : memref<512x32xf32, #tpu.memory_space<hbm>>) target_semaphore(%run_scoped3A_120 : memref<!tpu.dma_semaphore, #tpu.memory_space<semaphore_mem>>)
      %dma_wait3A_125 = arith.constant 0 : i32
      %dma_wait3A_126 = tpu.memref_slice %arg4[%mul3A_2, %dma_wait3A_125] : memref<16384x32xf32, #tpu.memory_space<hbm>> -> memref<512x32xf32, #tpu.memory_space<hbm>>
      %dma_wait3A_127 = arith.constant 0 : i32
      %dma_wait3A_128 = tpu.memref_slice %arg4[%mul3A_2, %dma_wait3A_127] : memref<16384x32xf32, #tpu.memory_space<hbm>> -> memref<512x32xf32, #tpu.memory_space<hbm>>
      tpu.wait_dma2 semaphore(%run_scoped3A_120 : memref<!tpu.dma_semaphore, #tpu.memory_space<semaphore_mem>>) src(%arg6 : memref<512x32xf32, #tpu.memory_space<vmem>>) dst(%dma_wait3A_128 : memref<512x32xf32, #tpu.memory_space<hbm>>)
      tpu.yield
    }) : () -> ()
    return
  }
}

</mosaic_0001>

<sc_bundles>
// kernel: kernel.3.cloned.1.call-start
scs
__scs_entry_jumppad:
0x0: {  	(pc) =	sbr.rel $0x88, $3  }
0x1: {  	(tag) =	ssettag $0x0;
	lr =	simm.s32 $0x1  }
0x2: {  	[smem:$0x3F9F] =	sst lr;
	_ =	strace $0xD0000000  }
0x3: {  	_ = 	snop  }
0x4: {  	_ = 	snop  }
0x5: {  	_ = 	snop  }
0x6: {  	_ = 	snop  }
0x7: {  	_ = 	snop  }
__scs_overlays_trampoline_lowered:
0x8: {  	[smem:$0x3FAE] =	sst s0  }
0x9: {  	[smem:$0x3FAF] =	sst s1  }
0xa: {  	[smem:$0x3FB0] =	sst s2  }
0xb: {  	[smem:$0x3FB1] =	sst s3  }
0xc: {  	[smem:$0x3FB2] =	sst s4  }
0xd: {  	[smem:$0x3FB3] =	sst s5  }
0xe: {  	[smem:$0x3FB4] =	sst s6  }
0xf: {  	[smem:$0x3FB5] =	sst s7  }
0x10: {  	[smem:$0x3FB6] =	sst s8  }
0x11: {  	[smem:$0x3FB7] =	sst s9;
	s0 =	simm.s32 @!p0 $0x0  }
0x12: {  	s1 =	sld [smem:$0x3F9D];
	s0 =	simm.s32 @p0 $0x1  }
0x13: {  	[smem:$0x3FB8] =	sst s0;
	s0 =	simm.s32 @!p1 $0x0  }
0x14: {  	s2 =	sld [smem:$0x3F9C];
	s0 =	simm.s32 @p1 $0x1  }
0x15: {  	[smem:$0x3FB9] =	sst s0;
	s0 =	simm.s32 @!p2 $0x0  }
0x16: {  	s3 =	sld [smem:$0x3FDB];
	s0 =	simm.s32 @p2 $0x1  }
0x17: {  	s4 =	simm.s32 $0x1BF5;
	[smem:$0x3FBB] =	sst s0  }
0x18: {  	s0 =	sld [smem:$0x3F9E];
	_ =	swait.ge [sflag:s4], $0x0  }
0x19: {  	s7 =	sld [smem:$0x3F9F]  }
0x1a: {  	s8 =	sadd.s32 $0xFFFFE003, lr  }
0x1b: {  	s9 =	sadd.s32 $0xFFFFFEF7, lr;
	s5 =	simm.s32 $0xFFFFFFFF;
	p2 =	slt.u32 s8, $0xFFFFF086  }
0x1c: {  	p1 =	slt.u32 s9, $0xF7A;
	s5 =	simm.s32 @!p2 $0x0  }
0x1d: {  	s5 =	simm.s32 @p1 $0x1;
	p0 =	seq.s32 s7, s2  }
0x1e: {  	s7 =	smul.u32 @!p0 $0xF7A, s2;
	p2 =	seq.s32 @!p0 s5, $0x0  }
0x1f: {  	s9 =	smul.u32 $0xF7A, s1;
	s8 =	simm.s32 @!p0 $0x1BF5;
	p2 =	por !p2, p0  }
0x20: {  	[sflag:s8] =	ssyncset.s32 @!p0 $0xFFFFF086;
	s6 =	sadd.s32 @!p0 s3, s7;
	s7 =	simm.s32 @!p0 $0x108  }
0x21: {  	s3 =	sadd.s32 s3, s9;
	s6 =	sadd.s32 @!p0 $0x88, s6;
	s7 =	simm.s32 @p2 $0x1082  }
0x22: {  	[simem:s7], [sflag:s8] =	dma.local @!p0 [hbm:s6], $0xF7A  }
0x23: {  	s9 =	sor.u32 $0xD0000000, s2;
	s6 =	simm.s32 $0x108;
	_ =	swait.ge @!p0 [sflag:s8], $0x0  }
0x24: {  	s3 =	sadd.s32 $0x88, s3;
	s6 =	simm.s32 @!p1 $0x1082;
	[sflag:s4] =	ssyncset.s32 $0xFFFFF086  }
0x25: {  	[simem:s6], [sflag:s4] =	dma.local [hbm:s3], $0xF7A  }
0x26: {  	[smem:$0x3F9F] =	sst s1;
	(tag) =	ssettag s2;
	_ =	strace s9  }
0x27: {  	s1 =	sld [smem:$0x3FAF]  }
0x28: {  	s2 =	sld [smem:$0x3FB0]  }
0x29: {  	s4 =	sld [smem:$0x3FB2]  }
0x2a: {  	p0 =	seq.s32 s5, $0x0;
	s5 =	sld [smem:$0x3FB3]  }
0x2b: {  	s6 =	sld [smem:$0x3FB4]  }
0x2c: {  	s7 =	sld [smem:$0x3FB5]  }
0x2d: {  	s3 =	simm.s32 $0x108;
	s8 =	sld [smem:$0x3FB6]  }
0x2e: {  	s3 =	simm.s32 @!p0 $0x1082;
	s9 =	sld [smem:$0x3FB7]  }
0x2f: {  	lr =	sadd.s32 s0, s3;
	s0 =	sld [smem:$0x3FAE]  }
0x30: {  	s3 =	sld [smem:$0x3FB1]  }
0x31: {  	[smem:$0x3FBA] =	sst s10  }
0x32: {  	s10 =	sld [smem:$0x3FB8];
	_ =	sdelay $0x3  }
0x33: {  	p0 =	seq.s32 s10, $0x1;
	s10 =	sld [smem:$0x3FBA];
	_ =	sdelay $0x3  }
0x34: {  	[smem:$0x3FBA] =	sst s10  }
0x35: {  	s10 =	sld [smem:$0x3FB9];
	_ =	sdelay $0x3  }
0x36: {  	p1 =	seq.s32 s10, $0x1;
	s10 =	sld [smem:$0x3FBA];
	_ =	sdelay $0x3  }
0x37: {  	[smem:$0x3FBA] =	sst s10  }
0x38: {  	s10 =	sld [smem:$0x3FBB]  }
0x39: {  	_ = 	snop;
	(pc) =	sbr.ind lr, $3  }
0x3a: {  	_ = 	snop  }
0x3b: {  	_ = 	snop  }
0x3c: {  	p2 =	seq.s32 s10, $0x1;
	s10 =	sld [smem:$0x3FBA]  }
0x3d: {  	_ =	shalt  }
0x3e: {  	_ =	shalt  }
0x3f: {  	_ =	shalt  }
0x40: {  	_ =	shalt  }
0x41: {  	_ =	shalt  }
0x42: {  	_ =	shalt  }
0x43: {  	_ =	shalt  }
0x44: {  	_ =	shalt  }
0x45: {  	_ =	shalt  }
0x46: {  	_ =	shalt  }
0x47: {  	_ =	shalt  }
0x48: {  	_ =	shalt  }
0x49: {  	_ =	shalt  }
0x4a: {  	_ =	shalt  }
0x4b: {  	_ =	shalt  }
0x4c: {  	_ =	shalt  }
0x4d: {  	_ =	shalt  }
0x4e: {  	_ =	shalt  }
0x4f: {  	_ =	shalt  }
0x50: {  	_ =	shalt  }
0x51: {  	_ =	shalt  }
0x52: {  	_ =	shalt  }
0x53: {  	_ =	shalt  }
0x54: {  	_ =	shalt  }
0x55: {  	_ =	shalt  }
0x56: {  	_ =	shalt  }
0x57: {  	_ =	shalt  }
0x58: {  	_ =	shalt  }
0x59: {  	_ =	shalt  }
0x5a: {  	_ =	shalt  }
0x5b: {  	_ =	shalt  }
0x5c: {  	_ =	shalt  }
0x5d: {  	_ =	shalt  }
0x5e: {  	_ =	shalt  }
0x5f: {  	_ =	shalt  }
0x60: {  	_ =	shalt  }
0x61: {  	_ =	shalt  }
0x62: {  	_ =	shalt  }
0x63: {  	_ =	shalt  }
0x64: {  	_ =	shalt  }
0x65: {  	_ =	shalt  }
0x66: {  	_ =	shalt  }
0x67: {  	_ =	shalt  }
0x68: {  	_ =	shalt  }
0x69: {  	_ =	shalt  }
0x6a: {  	_ =	shalt  }
0x6b: {  	_ =	shalt  }
0x6c: {  	_ =	shalt  }
0x6d: {  	_ =	shalt  }
0x6e: {  	_ =	shalt  }
0x6f: {  	_ =	shalt  }
0x70: {  	_ =	shalt  }
0x71: {  	_ =	shalt  }
0x72: {  	_ =	shalt  }
0x73: {  	_ =	shalt  }
0x74: {  	_ =	shalt  }
0x75: {  	_ =	shalt  }
0x76: {  	_ =	shalt  }
0x77: {  	_ =	shalt  }
0x78: {  	_ =	shalt  }
0x79: {  	_ =	shalt  }
0x7a: {  	_ =	shalt  }
0x7b: {  	_ =	shalt  }
0x7c: {  	_ =	shalt  }
0x7d: {  	_ =	shalt  }
0x7e: {  	_ =	shalt  }
0x7f: {  	_ =	shalt  }
0x80: {  	_ =	shalt  }
0x81: {  	_ =	shalt  }
0x82: {  	_ =	shalt  }
0x83: {  	_ =	shalt  }
0x84: {  	_ =	shalt  }
0x85: {  	_ =	shalt  }
0x86: {  	_ =	shalt  }
0x87: {  	_ =	shalt  }
.Lfunc_end0:
.L_simem_size_0:
called_computation_lowered:
.L_overlay_start_0:
0x88: {  	s2 =	sld [smem:$0x3FD9]  }
0x89: {  	s3 =	sld [smem:$0x3FFE];
	_ =	sdelay $0x1  }
0x8a: {  	s1 =	srdreg.scid  }
0x8b: {  	s0 =	sand.u32 $0x1, s1  }
0x8c: {  	s17 =	sshll.u32 s0, $0xA;
	s2 =	sadd.s32 s3, s2  }
0x8d: {  	s2 =	sadd.s32 s2, s17  }
0x8e: {  	[smem:$0x3FC6] =	sst s2  }
0x8f: {  	_ = 	snop  }
0x90: {  	s2 =	sld [smem:$0x3FC9]  }
0x91: {  	s18 =	sld [smem:$0x3FD0];
	(tm) =	ssettm $0x1  }
0x92: {  	s4 =	sld [smem:$0x3FFB];
	_ =	sdelay $0x3  }
0x93: {  	_ =	strace s4  }
0x94: {  	s4 =	sld [smem:$0x3FFC];
	_ =	sdelay $0x3  }
0x95: {  	_ =	strace s4  }
0x96: {  	s4 =	sld [smem:$0x3FFD];
	_ =	sdelay $0x3  }
0x97: {  	_ =	strace s4  }
0x98: {  	_ =	strace $0x8FFFFFFF  }
0x99: {  	s19 =	sld [smem:$0x3FDB];
	_ =	sdelay $0x1  }
0x9a: {  	s5 =	simm.s32 $_scs_section_size  }
0x9b: {  	s6 =	simm.s32 $_size__tile_overlayer_lowered;
	s7 =	simm.s32 $_tile_overlayer_lowered  }
0x9c: {  	s22 =	simm.s32 $0x1BFF;
	s21 =	sshll.u32 s7, $0x1;
	s4 =	sadd.s32 s5, s19  }
0x9d: {  	s8 =	simm.s32 $0x0;
	s20 =	sshll.u32 s6, $0x1;
	s6 =	sadd.s32 s21, s4  }
0x9e: {  	[timem:s8], [sflag:s22] =	dma.local [hbm:s6], s20  }
0x9f: {  	_ =	swait.ge [sflag:s22], s20  }
0xa0: {  	s5 =	ssub.s32 $0x0, s20;
	[sflag:s22] =	ssyncset.done $0x0  }
0xa1: {  	[sflag:s22] =	ssyncadd.s32 s5;
	_ =	sdelay $0x1  }
0xa2: {  	s23 =	simm.s32 $0x1B8B  }
0xa3: {  	_ =	swait.ge [sflag:s23], $0x1  }
0xa4: {  	[sflag:s23] =	ssyncset.done $0x0  }
0xa5: {  	s25 =	simm.s32 $0x1B8E;
	s24 =	sld [smem:$0x3FFE];
	[sflag:s23] =	ssyncadd.s32 $0xFFFFFFFF  }
0xa6: {  	s26 =	simm.s32 $execute0_lowered;
	[smem:$0x3FD2] =	sst s25  }
0xa7: {  	s6 =	sshll.u32 s26, $0x1;
	_ =	strace $0x80000046;
	[dreg:$0x1] =	wrdreg $0xFFFFFFFF  }
0xa8: {  	s28 =	simm.s32 $_size_execute0_lowered;
	s4 =	sadd.s32 s4, s6;
	[dreg:$0x0] =	wrdreg $0x0  }
0xa9: {  	s6 =	sshll.u32 s28, $0x1;
	[dreg:$0x2] =	wrdreg s4  }
0xaa: {  	[dreg:$0x3] =	wrdreg s6  }
0xab: {  	[dreg:$0x4] =	wrdreg $0xC0  }
0xac: {  	_ =	task [dreg:s8], $0x5FFFF  }
0xad: {  	[dreg:$0x1] =	wrdreg $0xFFFFFFFF  }
0xae: {  	[dreg:$0x0] =	wrdreg $0x60  }
0xaf: {  	[dreg:$0x2] =	wrdreg s2  }
0xb0: {  	[dreg:$0x3] =	wrdreg s24  }
0xb1: {  	[dreg:$0x4] =	wrdreg s18  }
0xb2: {  	[dreg:$0x5] =	wrdreg $0x9  }
0xb3: {  	_ =	task.clear_ibuf [dreg:s8], $0x6FFFF;
	_ =	strace $0x90000046  }
0xb4: {  	s29 =	simm.s32 $0x9;
	_ =	strace $0x80000048  }
0xb5: {  	_ =	swait.ge [sflag:s29], $0x1  }
0xb6: {  	[sflag:s29] =	ssyncadd.s32 $0xFFFFFFFF  }
0xb7: {  	_ =	strace $0x90000048  }
0xb8: {  	_ =	sfence  }
0xb9: {  	s30 =	sld [smem:$0x0];
	_ =	sdelay $0x2  }
0xba: {  	s31 =	sshll.u32 s1, $0xD;
	s1 =	sshrl.u32 s1, $0x2  }
0xbb: {  	s3 =	sand.u32 $0x4000, s31;
	s1 =	sadd.s32 s1, s30  }
0xbc: {  	s0 =	sor.u32 s3, s0;
	s1 =	sshll.u32 s1, $0x11  }
0xbd: {  	s0 =	sor.u32 s1, s0  }
0xbe: {  	s0 =	sadd.s32 $0x8F2B, s0  }
0xbf: {  	[sflag:s0] =	ssyncadd.remote.s32 $0x1  }
0xc0: {  	_ =	sfence.sel $0xFFFF  }
0xc1: {  	[dreg:$0x0] =	wrdreg $0xFFFFFFFF;
	(pc) =	sbr.abs _section_cstart, $3  }
0xc2: {  	[dreg:$0x1] =	wrdreg $0xFFFFFFFF  }
0xc3: {  	_ =	task.clear_ibuf [dreg:s8], $0x2FFFF;
	_ =	strace $0x9FFFFFFF  }
0xc4: {  	(tm) =	ssettm $0x7FFFFFFF  }
0xc5: {  	_ =	shalt  }
tec
execute0_lowered:
.L_overlay_start_1:
0x0: {  	(tag) =	ssettag $0x1  }
0x1: {  	s3 =	rddreg [dreg:$0x0]  }
0x2: {  	s1 =	srdreg.scid;
	s4 =	rddreg [dreg:$0x1]  }
0x3: {  	s0 =	stileid.u32;
	s8 =	rddreg [dreg:$0x2];
	s2 =	simm.s32 $0x0  }
0x4: {  	s11 =	simm.s32 $0x80;
	s12 =	simm.s32 $0x100;
	s13 =	simm.s32 $0x180  }
0x5: {  	s14 =	simm.s32 $0x1200;
	s15 =	simm.s32 $0x2200;
	s16 =	simm.s32 $0x3200  }
0x6: {  	s17 =	simm.s32 $0x1;
	s18 =	simm.s32 $0x200;
	s19 =	simm.s32 $0x0  }
0x7: {  	s5 =	sand.u32 $0x1, s1;
	s6 =	sshll.u32 s0, $0xA;
	s1 =	rddreg [dreg:$0x3]  }
0x8: {  	[smem:$0x7FF] =	sst s2;
	s4 =	sadd.s32 $0xF42A00, s4;
	s7 =	sshll.u32 s5, $0x9  }
.Ltmp0:
0x9: {  	s5 =	ssub.s32 $0x2, s5;
	s9 =	sor.u32 s7, s6;
	(pc) =	sbr.rel .LBB2_1-.Ltmp0, $4  }
0xa: {  	_ =	strace $0x80000047;
	s31 =	sshrl.u32 s5, $0x1;
	s6 =	sshrl.u32 s9, $0x3  }
0xb: {  	s10 =	ssub.s32 s5, s31;
	s9 =	sshll.u32 s9, $0x2;
	s3 =	sadd.s32 s3, s6  }
0xc: {  	s8 =	sadd.s32 s8, s9;
	s9 =	smax.u32 s10, $0x1;
	s10 =	simm.s32 $0x2  }
0xd: {  	s5 =	sadd.s32 $0x10, s3;
	s6 =	sadd.s32 $0x20, s3;
	s7 =	sadd.s32 $0x30, s3  }
.LBB2_25:
0xe: {  	s19 =	sadd.s32 $0x1, s19  }
0xf: {  	p0 =	sne.s32 s19, s9  }
.Ltmp1:
0x10: {  	_ = 	snop;
	(pc) =	sbr.rel @!p0 .LBB2_26-.Ltmp1, $4  }
0x11: {  	[hbm4b:s8+s2] =	stream.linear.scatter [tilespmem:s18], [sflag:$0x2], $0x4000, $0x38;
	[tilespmem:$0x4200] =	vst v63  }
0x12: {  	_ =	swait.ge [sflag:s10], $0x4000  }
0x13: {  	[sflag:s10] =	ssyncset.done $0x0  }
0x14: {  	[sflag:s10] =	ssyncadd.s32 $0xFFFFC000  }
.LBB2_1:
0x15: {  	[tilespmem:s2], [sflag:$0x2] =	stream.linear.gather [hbm4b:s3+s2], $0x80, $0x38;
	[tilespmem:$0x4200] =	vst v63  }
0x16: {  	_ =	swait.ge [sflag:s10], $0x80  }
0x17: {  	[sflag:s10] =	ssyncset.done $0x0  }
0x18: {  	[sflag:s10] =	ssyncadd.s32 $0xFFFFFF80  }
0x19: {  	[tilespmem:s11], [sflag:$0x2] =	stream.linear.gather [hbm4b:s5+s2], $0x80, $0x38;
	[tilespmem:$0x4200] =	vst v63  }
0x1a: {  	_ =	swait.ge [sflag:s10], $0x80  }
0x1b: {  	[sflag:s10] =	ssyncset.done $0x0  }
0x1c: {  	[sflag:s10] =	ssyncadd.s32 $0xFFFFFF80  }
0x1d: {  	[tilespmem:s12], [sflag:$0x2] =	stream.linear.gather [hbm4b:s6+s2], $0x80, $0x38;
	[tilespmem:$0x4200] =	vst v63  }
0x1e: {  	_ =	swait.ge [sflag:s10], $0x80  }
0x1f: {  	[sflag:s10] =	ssyncset.done $0x0  }
0x20: {  	[sflag:s10] =	ssyncadd.s32 $0xFFFFFF80  }
0x21: {  	[tilespmem:s13], [sflag:$0x2] =	stream.linear.gather [hbm4b:s7+s2], $0x80, $0x38;
	[tilespmem:$0x4200] =	vst v63  }
0x22: {  	_ =	swait.ge [sflag:s10], $0x80  }
0x23: {  	[sflag:s10] =	ssyncset.done $0x0  }
0x24: {  	[sflag:s10] =	ssyncadd.s32 $0xFFFFFF80  }
0x25: {  	[tilespmem:s18], [sflag:$0x1] =	stream.indirect.gather [hbm4b:s4+s11], $0x20, s2, s11, $0xb8;
	[tilespmem:$0x4200] =	vst v63  }
0x26: {  	_ = 	snop  }
0x27: {  	[tilespmem:s14], [sflag:$0x1] =	stream.indirect.gather [hbm4b:s4+s11], $0x20, s11, s11, $0xb8;
	[tilespmem:$0x4200] =	vst v63  }
0x28: {  	_ = 	snop  }
0x29: {  	[tilespmem:s15], [sflag:$0x1] =	stream.indirect.gather [hbm4b:s4+s11], $0x20, s12, s11, $0xb8;
	[tilespmem:$0x4200] =	vst v63  }
0x2a: {  	_ = 	snop  }
0x2b: {  	[tilespmem:s16], [sflag:$0x1] =	stream.indirect.gather [hbm4b:s4+s11], $0x20, s13, s11, $0xb8;
	[tilespmem:$0x4200] =	vst v63  }
0x2c: {  	_ =	swait.ge [sflag:s17], $0x1000  }
0x2d: {  	[sflag:s17] =	ssyncset.done $0x0  }
0x2e: {  	[sflag:s17] =	ssyncadd.s32 $0xFFFFF000  }
0x2f: {  	_ =	swait.ge [sflag:s17], $0x1000  }
0x30: {  	[sflag:s17] =	ssyncset.done $0x0  }
0x31: {  	[sflag:s17] =	ssyncadd.s32 $0xFFFFF000  }
0x32: {  	_ =	swait.ge [sflag:s17], $0x1000  }
.Ltmp2:
0x33: {  	[sflag:s17] =	ssyncset.done $0x0;
	(pc) =	sbr.rel .LBB2_2-.Ltmp2, $4  }
0x34: {  	[sflag:s17] =	ssyncadd.s32 $0xFFFFF000  }
0x35: {  	_ =	swait.ge [sflag:s17], $0x1000  }
0x36: {  	s20 =	simm.s32 $0x0;
	[sflag:s17] =	ssyncset.done $0x0  }
0x37: {  	s21 =	simm.s32 $0x200;
	s22 =	simm.s32 $0x0;
	[sflag:s17] =	ssyncadd.s32 $0xFFFFF000  }
.LBB2_6:
0x38: {  	s22 =	sadd.s32 $0x1, s22  }
0x39: {  	p0 =	sne.s32 s22, $0x8  }
.Ltmp3:
0x3a: {  	_ = 	snop;
	(pc) =	sbr.rel @!p0 .LBB2_7-.Ltmp3, $2  }
0x3b: {  	_ =	sdelay $0x2  }
0x3c: {  	s21 =	sadd.s32 $0x200, s21;
	s20 =	sadd.s32 $0x10, s20  }
.LBB2_2:
0x3d: {  	s23 =	sshll.u32 s22, $0x4  }
0x3e: {  	v0 =	vld [tilespmem:s23+$0x0];
	_ =	sdelay $0x4  }
0x3f: {  	v0 =	vxor.u32 $0x80000000, v0  }
0x40: {  	(xrf0) =	vmin.scan.msk.u32 $0xffff, v0;
	_ =	sdelay $0x5  }
0x41: {  	v0, _, _ =	vpop (xrf0)  }
0x42: {  	(v2sf) =	vpush v0, $0xF;
	_ =	sdelay $0xe  }
0x43: {  	s31 =	spop (v2sf)  }
0x44: {  	p0 =	sne.s32 s31, $0x80000000  }
.Ltmp4:
0x45: {  	_ = 	snop;
	(pc) =	sbr.rel @p0 .LBB2_6-.Ltmp4, $1  }
0x46: {  	_ =	sdelay $0x3  }
0x47: {  	v0 =	vmov s20;
	_ =	sdelay $0x2  }
0x48: {  	s23 =	sadd.s32 $0x0, s21  }
0x49: {  	v2 =	vld [tilespmem:s23+$0x10]  }
0x4a: {  	v1 =	vld.idx.msk [tilespmem:v0+s2+$0x0], $0xffff  }
0x4b: {  	v3 =	vld [tilespmem:s23+$0x0];
	_ =	sdelay $0x1  }
0x4c: {  	s25 =	sadd.s32 $0x1, s20  }
0x4d: {  	s24 =	simm.s32 $0x80;
	s26 =	simm.s32 $0x100;
	v0 =	vmov s25  }
.LBB2_4:
0x4e: {  	p0 =	sne.s32 s26, $0x780;
	vm0 =	veq.s32 v1, $0x0  }
0x4f: {  	v1 =	vsel vm0, $0x0, v3;
	v2 =	vsel vm0, $0x0, v2  }
0x50: {  	[tilespmem:s23+$0x0] =	vst v1  }
0x51: {  	s28 =	sshra.s32 s24, $0x2;
	s24 =	smov.u32 s26;
	[tilespmem:s23+$0x10] =	vst v2  }
0x52: {  	s23 =	sadd.s32 s28, s21;
	v1 =	vld.idx.msk [tilespmem:v0+s2+$0x0], $0xffff  }
.Ltmp5:
0x53: {  	v2 =	vld [tilespmem:s23+$0x10];
	(pc) =	sbr.rel @p0 .LBB2_4-.Ltmp5, $3  }
0x54: {  	v3 =	vld [tilespmem:s23+$0x0];
	_ =	sdelay $0x1  }
0x55: {  	s25 =	sadd.s32 $0x1, s25  }
0x56: {  	s26 =	sadd.s32 $0x80, s26;
	v0 =	vmov s25  }
0x57: {  	vm0 =	veq.s32 v1, $0x0  }
0x58: {  	v1 =	vsel vm0, $0x0, v3  }
0x59: {  	v2 =	vsel vm0, $0x0, v2;
	[tilespmem:s23+$0x0] =	vst v1  }
0x5a: {  	s24 =	sshra.s32 s24, $0x2;
	[tilespmem:s23+$0x10] =	vst v2  }
0x5b: {  	s31 =	sadd.s32 s24, s21;
	v0 =	vld.idx.msk [tilespmem:v0+s2+$0x0], $0xffff  }
0x5c: {  	v1 =	vld [tilespmem:s31+$0x0]  }
0x5d: {  	v2 =	vld [tilespmem:s31+$0x10];
	_ =	sdelay $0x1  }
.Ltmp6:
0x5e: {  	_ = 	snop;
	(pc) =	sbr.rel .LBB2_6-.Ltmp6, $4  }
0x5f: {  	vm15 =	veq.s32 v0, $0x0  }
0x60: {  	v0 =	vsel vm15, $0x0, v1  }
0x61: {  	v63 =	vsel vm15, $0x0, v2;
	[tilespmem:s31+$0x0] =	vst v0  }
0x62: {  	[tilespmem:s31+$0x10] =	vst v63  }
.LBB2_7:
.Ltmp7:
0x63: {  	(pc) =	sbr.rel .LBB2_8-.Ltmp7, $3  }
0x64: {  	_ =	sdelay $0x1  }
0x65: {  	s20 =	simm.s32 $0x1210  }
0x66: {  	s21 =	simm.s32 $0x0;
	s22 =	simm.s32 $0x0;
	s23 =	simm.s32 $0x0  }
.LBB2_12:
0x67: {  	s23 =	sadd.s32 $0x1, s23  }
0x68: {  	p0 =	sne.s32 s23, $0x8  }
.Ltmp8:
0x69: {  	_ = 	snop;
	(pc) =	sbr.rel @!p0 .LBB2_13-.Ltmp8, $2  }
0x6a: {  	_ =	sdelay $0x2  }
0x6b: {  	s20 =	sadd.s32 $0x200, s20;
	s22 =	sadd.s32 $0x10, s22  }
.LBB2_8:
0x6c: {  	s24 =	sshll.u32 s23, $0x4  }
0x6d: {  	v0 =	vld [tilespmem:s24+$0x80];
	_ =	sdelay $0x4  }
0x6e: {  	v0 =	vxor.u32 $0x80000000, v0  }
0x6f: {  	(xrf0) =	vmin.scan.msk.u32 $0xffff, v0;
	_ =	sdelay $0x5  }
0x70: {  	v0, _, _ =	vpop (xrf0)  }
0x71: {  	(v2sf) =	vpush v0, $0xF;
	_ =	sdelay $0xe  }
0x72: {  	s31 =	spop (v2sf)  }
0x73: {  	p0 =	sne.s32 s31, $0x80000000  }
.Ltmp9:
0x74: {  	_ = 	snop;
	(pc) =	sbr.rel @p0 .LBB2_12-.Ltmp9, $1  }
0x75: {  	_ =	sdelay $0x3  }
0x76: {  	s24 =	sadd.s32 s21, s22  }
0x77: {  	v0 =	vmov s24;
	_ =	sdelay $0x3  }
0x78: {  	v1 =	vld [tilespmem:s20+$0xFFFFFFF0]  }
0x79: {  	v0 =	vld.idx.msk [tilespmem:v0+s11+$0x0], $0xffff  }
0x7a: {  	v2 =	vld [tilespmem:s20+$0x0]  }
0x7b: {  	s31 =	sadd.s32 $0x1, s21  }
0x7c: {  	s26 =	sadd.s32 s31, s22;
	s25 =	sadd.s32 $0x1, s31;
	s24 =	smov.u32 s20  }
.LBB2_10:
0x7d: {  	p0 =	sne.s32 s25, $0xF;
	v3 =	vmov s26  }
0x7e: {  	vm0 =	veq.s32 v0, $0x0  }
0x7f: {  	v0 =	vsel vm0, $0x0, v1;
	v1 =	vsel vm0, $0x0, v2  }
0x80: {  	[tilespmem:s24+$0xFFFFFFF0] =	vst v0  }
0x81: {  	[tilespmem:s24+$0x0] =	vst v1  }
.Ltmp10:
0x82: {  	s24 =	sadd.s32 $0x20, s24;
	v0 =	vld.idx.msk [tilespmem:v3+s11+$0x0], $0xffff;
	(pc) =	sbr.rel @p0 .LBB2_10-.Ltmp10, $3  }
0x83: {  	v1 =	vld [tilespmem:s24+$0xFFFFFFF0]  }
0x84: {  	v2 =	vld [tilespmem:s24+$0x0];
	_ =	sdelay $0x1  }
0x85: {  	s26 =	sadd.s32 s25, s22;
	s25 =	sadd.s32 $0x1, s25  }
0x86: {  	v3 =	vmov s26  }
0x87: {  	vm0 =	veq.s32 v0, $0x0  }
0x88: {  	v0 =	vsel vm0, $0x0, v1  }
0x89: {  	v61 =	vsel vm0, $0x0, v2;
	[tilespmem:s24+$0xFFFFFFF0] =	vst v0  }
0x8a: {  	[tilespmem:s24+$0x0] =	vst v61  }
0x8b: {  	s31 =	sadd.s32 $0x20, s24;
	v0 =	vld.idx.msk [tilespmem:v3+s11+$0x0], $0xffff  }
0x8c: {  	v1 =	vld [tilespmem:s31+$0xFFFFFFF0]  }
0x8d: {  	v62 =	vld [tilespmem:s31+$0x0];
	_ =	sdelay $0x1  }
.Ltmp11:
0x8e: {  	_ = 	snop;
	(pc) =	sbr.rel .LBB2_12-.Ltmp11, $4  }
0x8f: {  	vm15 =	veq.s32 v0, $0x0  }
0x90: {  	v0 =	vsel vm15, $0x0, v1  }
0x91: {  	v63 =	vsel vm15, $0x0, v62;
	[tilespmem:s31+$0xFFFFFFF0] =	vst v0  }
0x92: {  	[tilespmem:s31+$0x0] =	vst v63  }
.LBB2_13:
.Ltmp12:
0x93: {  	(pc) =	sbr.rel .LBB2_14-.Ltmp12, $3  }
0x94: {  	_ =	sdelay $0x1  }
0x95: {  	s20 =	simm.s32 $0x2210  }
0x96: {  	s21 =	simm.s32 $0x0;
	s22 =	simm.s32 $0x0;
	s23 =	simm.s32 $0x0  }
.LBB2_18:
0x97: {  	s23 =	sadd.s32 $0x1, s23  }
0x98: {  	p0 =	sne.s32 s23, $0x8  }
.Ltmp13:
0x99: {  	_ = 	snop;
	(pc) =	sbr.rel @!p0 .LBB2_19-.Ltmp13, $2  }
0x9a: {  	_ =	sdelay $0x2  }
0x9b: {  	s20 =	sadd.s32 $0x200, s20;
	s22 =	sadd.s32 $0x10, s22  }
.LBB2_14:
0x9c: {  	s24 =	sshll.u32 s23, $0x4  }
0x9d: {  	v0 =	vld [tilespmem:s24+$0x100];
	_ =	sdelay $0x4  }
0x9e: {  	v0 =	vxor.u32 $0x80000000, v0  }
0x9f: {  	(xrf0) =	vmin.scan.msk.u32 $0xffff, v0;
	_ =	sdelay $0x5  }
0xa0: {  	v0, _, _ =	vpop (xrf0)  }
0xa1: {  	(v2sf) =	vpush v0, $0xF;
	_ =	sdelay $0xe  }
0xa2: {  	s31 =	spop (v2sf)  }
0xa3: {  	p0 =	sne.s32 s31, $0x80000000  }
.Ltmp14:
0xa4: {  	_ = 	snop;
	(pc) =	sbr.rel @p0 .LBB2_18-.Ltmp14, $1  }
0xa5: {  	_ =	sdelay $0x3  }
0xa6: {  	s24 =	sadd.s32 s21, s22  }
0xa7: {  	v0 =	vmov s24;
	_ =	sdelay $0x3  }
0xa8: {  	v1 =	vld [tilespmem:s20+$0xFFFFFFF0]  }
0xa9: {  	v0 =	vld.idx.msk [tilespmem:v0+s12+$0x0], $0xffff  }
0xaa: {  	v2 =	vld [tilespmem:s20+$0x0]  }
0xab: {  	s31 =	sadd.s32 $0x1, s21  }
0xac: {  	s26 =	sadd.s32 s31, s22;
	s25 =	sadd.s32 $0x1, s31;
	s24 =	smov.u32 s20  }
.LBB2_16:
0xad: {  	p0 =	sne.s32 s25, $0xF;
	v3 =	vmov s26  }
0xae: {  	vm0 =	veq.s32 v0, $0x0  }
0xaf: {  	v0 =	vsel vm0, $0x0, v1;
	v1 =	vsel vm0, $0x0, v2  }
0xb0: {  	[tilespmem:s24+$0xFFFFFFF0] =	vst v0  }
0xb1: {  	[tilespmem:s24+$0x0] =	vst v1  }
.Ltmp15:
0xb2: {  	s24 =	sadd.s32 $0x20, s24;
	v0 =	vld.idx.msk [tilespmem:v3+s12+$0x0], $0xffff;
	(pc) =	sbr.rel @p0 .LBB2_16-.Ltmp15, $3  }
0xb3: {  	v1 =	vld [tilespmem:s24+$0xFFFFFFF0]  }
0xb4: {  	v2 =	vld [tilespmem:s24+$0x0];
	_ =	sdelay $0x1  }
0xb5: {  	s26 =	sadd.s32 s25, s22;
	s25 =	sadd.s32 $0x1, s25  }
0xb6: {  	v3 =	vmov s26  }
0xb7: {  	vm0 =	veq.s32 v0, $0x0  }
0xb8: {  	v0 =	vsel vm0, $0x0, v1  }
0xb9: {  	v61 =	vsel vm0, $0x0, v2;
	[tilespmem:s24+$0xFFFFFFF0] =	vst v0  }
0xba: {  	[tilespmem:s24+$0x0] =	vst v61  }
0xbb: {  	s31 =	sadd.s32 $0x20, s24;
	v0 =	vld.idx.msk [tilespmem:v3+s12+$0x0], $0xffff  }
0xbc: {  	v1 =	vld [tilespmem:s31+$0xFFFFFFF0]  }
0xbd: {  	v62 =	vld [tilespmem:s31+$0x0];
	_ =	sdelay $0x1  }
.Ltmp16:
0xbe: {  	_ = 	snop;
	(pc) =	sbr.rel .LBB2_18-.Ltmp16, $4  }
0xbf: {  	vm15 =	veq.s32 v0, $0x0  }
0xc0: {  	v0 =	vsel vm15, $0x0, v1  }
0xc1: {  	v63 =	vsel vm15, $0x0, v62;
	[tilespmem:s31+$0xFFFFFFF0] =	vst v0  }
0xc2: {  	[tilespmem:s31+$0x0] =	vst v63  }
.LBB2_19:
.Ltmp17:
0xc3: {  	(pc) =	sbr.rel .LBB2_20-.Ltmp17, $3  }
0xc4: {  	_ =	sdelay $0x1  }
0xc5: {  	s20 =	simm.s32 $0x3210  }
0xc6: {  	s21 =	simm.s32 $0x0;
	s22 =	simm.s32 $0x0;
	s23 =	simm.s32 $0x0  }
.LBB2_24:
0xc7: {  	s23 =	sadd.s32 $0x1, s23  }
0xc8: {  	p0 =	sne.s32 s23, $0x8  }
.Ltmp18:
0xc9: {  	_ = 	snop;
	(pc) =	sbr.rel @!p0 .LBB2_25-.Ltmp18, $2  }
0xca: {  	_ =	sdelay $0x2  }
0xcb: {  	s20 =	sadd.s32 $0x200, s20;
	s22 =	sadd.s32 $0x10, s22  }
.LBB2_20:
0xcc: {  	s24 =	sshll.u32 s23, $0x4  }
0xcd: {  	v0 =	vld [tilespmem:s24+$0x180];
	_ =	sdelay $0x4  }
0xce: {  	v0 =	vxor.u32 $0x80000000, v0  }
0xcf: {  	(xrf0) =	vmin.scan.msk.u32 $0xffff, v0;
	_ =	sdelay $0x5  }
0xd0: {  	v0, _, _ =	vpop (xrf0)  }
0xd1: {  	(v2sf) =	vpush v0, $0xF;
	_ =	sdelay $0xe  }
0xd2: {  	s31 =	spop (v2sf)  }
0xd3: {  	p0 =	sne.s32 s31, $0x80000000  }
.Ltmp19:
0xd4: {  	_ = 	snop;
	(pc) =	sbr.rel @p0 .LBB2_24-.Ltmp19, $1  }
0xd5: {  	_ =	sdelay $0x3  }
0xd6: {  	s24 =	sadd.s32 s21, s22  }
0xd7: {  	v0 =	vmov s24;
	_ =	sdelay $0x3  }
0xd8: {  	v1 =	vld [tilespmem:s20+$0xFFFFFFF0]  }
0xd9: {  	v0 =	vld.idx.msk [tilespmem:v0+s13+$0x0], $0xffff  }
0xda: {  	v2 =	vld [tilespmem:s20+$0x0]  }
0xdb: {  	s31 =	sadd.s32 $0x1, s21  }
0xdc: {  	s26 =	sadd.s32 s31, s22;
	s25 =	sadd.s32 $0x1, s31;
	s24 =	smov.u32 s20  }
.LBB2_22:
0xdd: {  	p0 =	sne.s32 s25, $0xF;
	v3 =	vmov s26  }
0xde: {  	vm0 =	veq.s32 v0, $0x0  }
0xdf: {  	v0 =	vsel vm0, $0x0, v1;
	v1 =	vsel vm0, $0x0, v2  }
0xe0: {  	[tilespmem:s24+$0xFFFFFFF0] =	vst v0  }
0xe1: {  	[tilespmem:s24+$0x0] =	vst v1  }
.Ltmp20:
0xe2: {  	s24 =	sadd.s32 $0x20, s24;
	v0 =	vld.idx.msk [tilespmem:v3+s13+$0x0], $0xffff;
	(pc) =	sbr.rel @p0 .LBB2_22-.Ltmp20, $3  }
0xe3: {  	v1 =	vld [tilespmem:s24+$0xFFFFFFF0]  }
0xe4: {  	v2 =	vld [tilespmem:s24+$0x0];
	_ =	sdelay $0x1  }
0xe5: {  	s26 =	sadd.s32 s25, s22;
	s25 =	sadd.s32 $0x1, s25  }
0xe6: {  	v3 =	vmov s26  }
0xe7: {  	vm0 =	veq.s32 v0, $0x0  }
0xe8: {  	v0 =	vsel vm0, $0x0, v1  }
0xe9: {  	v61 =	vsel vm0, $0x0, v2;
	[tilespmem:s24+$0xFFFFFFF0] =	vst v0  }
0xea: {  	[tilespmem:s24+$0x0] =	vst v61  }
0xeb: {  	s31 =	sadd.s32 $0x20, s24;
	v0 =	vld.idx.msk [tilespmem:v3+s13+$0x0], $0xffff  }
0xec: {  	v1 =	vld [tilespmem:s31+$0xFFFFFFF0]  }
0xed: {  	v62 =	vld [tilespmem:s31+$0x0];
	_ =	sdelay $0x1  }
.Ltmp21:
0xee: {  	_ = 	snop;
	(pc) =	sbr.rel .LBB2_24-.Ltmp21, $4  }
0xef: {  	vm15 =	veq.s32 v0, $0x0  }
0xf0: {  	v0 =	vsel vm15, $0x0, v1  }
0xf1: {  	v63 =	vsel vm15, $0x0, v62;
	[tilespmem:s31+$0xFFFFFFF0] =	vst v0  }
0xf2: {  	[tilespmem:s31+$0x0] =	vst v63  }
.LBB2_26:
0xf3: {  	_ =	sfence.sel $0x180000  }
0xf4: {  	[bflag:$0x0] =	sbarrier.arrive $0xFFFF  }
0xf5: {  	p0 =	sne.s32 s0, $0x0;
	_ =	strace $0x90000047  }
0xf6: {  	s0 =	sadd.s32 @!p0 $0x100000, s1;
	[bflag:$0x2] =	sbarrier.arrive $0xFFFF  }
0xf7: {  	[sflag:s0] =	ssyncadd.tile.s32 @!p0 $0x1;
	_ =	shalt  }
.Lfunc_end2:
_tile_overlayer_lowered:
.L_overlay_start_2:
0xf8: {  	(tag) =	ssettag $0x2  }
0xf9: {  	s0 =	rddreg [dreg:$0x0];
	s2 =	stileid.u32  }
0xfa: {  	s1 =	rddreg [dreg:$0x1];
	p0 =	sne.s32 s2, $0x0  }
0xfb: {  	s3 =	rddreg [dreg:$0x2];
	[bflag:$0x3] =	sbarrier.arrive $0xFFFF;
	s2 =	simm.s32 @!p0 $0x1C02  }
0xfc: {  	[timem:s3], [sflag:s2] =	dma.local @!p0 [hbm:s0], s1  }
0xfd: {  	s0 =	simm.s32 @!p0 $0x2  }
0xfe: {  	_ =	swait.ge @!p0 [sflag:s0], s1  }
0xff: {  	s1 =	ssub.s32 @!p0 $0x0, s1;
	[sflag:s0] =	ssyncset.done @!p0 $0x0  }
0x100: {  	[sflag:s0] =	ssyncadd.s32 @!p0 s1  }
0x101: {  	[bflag:$0x3] =	sbarrier.arrive $0xFFFF  }
0x102: {  	_ =	shalt  }

</sc_bundles>
